<compile_context>
chip_gen: v7x
topology: tpu7x:2x2x1
jax: 0.10.2.dev20260603
libtpu: 0.0.44.dev20260713+nightly
codegen_flags: <defaults>
</compile_context>

<pallas_src>
import functools

import jax
import jax.numpy as jnp
from jax import lax
from jax.experimental import pallas as pl
from jax.experimental.pallas import tpu as pltpu
from jax.experimental.pallas import tpu_sc as plsc

N = 160000
D = 128
R = 16
NODES = 10000
EPS = 1e-5

BLK = 1600
NBLK = N // BLK

SC_CORES = 2
SC_SUBCORES = 16
SC_K = 128
SC_CHUNKS = N // SC_K
NODES_PAD = 10240
NP_TILE = 640


def _k1(x_ref, rel_ref, wcat_ref, h_ref, s1_ref, s2_ref, cnt_ref):
    i = pl.program_id(0)
    x = x_ref[...]
    rel = rel_ref[...]
    hcat = jnp.dot(x.astype(jnp.bfloat16), wcat_ref[...],
                   preferred_element_type=jnp.float32).astype(jnp.bfloat16)
    relb = jnp.broadcast_to(rel, (BLK, D)).astype(jnp.bfloat16)
    h = hcat[:, 0:D]
    for r in range(1, R):
        h = jnp.where(relb == jnp.bfloat16(r), hcat[:, r * D:(r + 1) * D], h)
    h_ref[...] = h
    m = (rel == lax.broadcasted_iota(jnp.int32, (1, R), 1)).astype(jnp.bfloat16)
    dn = (((0,), (0,)), ((), ()))
    s1 = lax.dot_general(m, h, dn, preferred_element_type=jnp.float32)
    s2 = lax.dot_general(m, h * h, dn, preferred_element_type=jnp.float32)
    c = lax.dot_general(m, jnp.ones((BLK, D), jnp.bfloat16), dn,
                        preferred_element_type=jnp.float32)

    @pl.when(i == 0)
    def _():
        s1_ref[...] = jnp.zeros_like(s1_ref)
        s2_ref[...] = jnp.zeros_like(s2_ref)
        cnt_ref[...] = jnp.zeros_like(cnt_ref)

    s1_ref[...] += s1
    s2_ref[...] += s2
    cnt_ref[...] += c


def _k2(h_ref, rel_ref, s1_ref, s2_ref, cnt_ref, g_ref, be_ref, z_ref):
    n = jnp.maximum(cnt_ref[...], 1.0)
    mean = s1_ref[...] / n
    var = jnp.maximum(s2_ref[...] / n - mean * mean, 0.0)
    scale = g_ref[...] * lax.rsqrt(var + EPS)
    shift = be_ref[...] - mean * scale
    rel = rel_ref[...]
    m = (rel == lax.broadcasted_iota(jnp.int32, (1, R), 1)).astype(jnp.bfloat16)
    rs = jnp.dot(m, scale.astype(jnp.bfloat16),
                 preferred_element_type=jnp.float32)
    rb = jnp.dot(m, shift.astype(jnp.bfloat16),
                 preferred_element_type=jnp.float32)
    z_ref[...] = jnp.maximum(h_ref[...].astype(jnp.float32) * rs + rb, 0.0)


def _k4(s_ref, c_ref, o_ref):
    p = s_ref[0] + s_ref[1]
    c = c_ref[0, :, 0:1] + c_ref[1, :, 0:1]
    o_ref[...] = p / jnp.maximum(c, 1.0)


def _sc_mesh():
    return plsc.VectorSubcoreMesh(core_axis_name="core",
                                  subcore_axis_name="subcore")


def _tile_plan(c, s):
    w = c * SC_SUBCORES + s
    first = w * 39 + jnp.minimum(w, 2)
    cntw = jnp.where(w < 2, 40, 39)
    return first, cntw


def _sc_pool(z, dst, zeros128):
    @functools.partial(
        pl.kernel,
        out_type=jax.ShapeDtypeStruct((SC_CORES, NODES_PAD, D), jnp.float32),
        mesh=_sc_mesh(),
        scratch_types=[
            pltpu.VMEM_SHARED((NODES_PAD, D), jnp.float32),
            pltpu.VMEM((2, SC_K, D), jnp.float32),
            pltpu.VMEM((2, SC_K), jnp.int32),
            pltpu.SemaphoreType.DMA((2,)),
            pltpu.SemaphoreType.DMA((2,)),
        ],
    )
    def k(z_hbm, d_hbm, z128_hbm, sums_hbm, acc, rows_v, idx_v, rsem, isem):
        c = lax.axis_index("core")
        s = lax.axis_index("subcore")
        first, cntw = _tile_plan(c, s)
        nb = s * NP_TILE
        pltpu.sync_copy(z128_hbm.at[pl.ds(nb, NP_TILE)],
                        acc.at[pl.ds(nb, NP_TILE)])
        plsc.subcore_barrier()

        def start(i, bb):
            base = (first + i) * SC_K
            pltpu.async_copy(z_hbm.at[pl.ds(base, SC_K)], rows_v.at[bb],
                             rsem.at[bb])
            pltpu.async_copy(d_hbm.at[pl.ds(base, SC_K)], idx_v.at[bb],
                             isem.at[bb])

        def step(i, bb):
            @pl.when(i < cntw)
            def _():
                pltpu.make_async_copy(z_hbm.at[pl.ds(0, SC_K)],
                                      rows_v.at[bb], rsem.at[bb]).wait()
                pltpu.make_async_copy(d_hbm.at[pl.ds(0, SC_K)],
                                      idx_v.at[bb], isem.at[bb]).wait()
                pltpu.sync_copy(rows_v.at[bb], acc.at[idx_v.at[bb]], add=True)

                @pl.when(i + 2 < cntw)
                def _():
                    start(i + 2, bb)

        start(0, 0)
        start(1, 1)

        @pl.loop(0, 20)
        def _(j):
            step(j * 2, 0)
            step(j * 2 + 1, 1)

        plsc.subcore_barrier()
        pltpu.sync_copy(acc.at[pl.ds(nb, NP_TILE)],
                        sums_hbm.at[c].at[pl.ds(nb, NP_TILE)])

    return k(z, dst, zeros128)


def _sc_counts(dst, ones128, zeros128):
    @functools.partial(
        pl.kernel,
        out_type=jax.ShapeDtypeStruct((SC_CORES, NODES_PAD, D), jnp.float32),
        mesh=_sc_mesh(),
        scratch_types=[
            pltpu.VMEM_SHARED((NODES_PAD, D), jnp.float32),
            pltpu.VMEM((SC_K, D), jnp.float32),
            pltpu.VMEM((2, SC_K), jnp.int32),
            pltpu.SemaphoreType.DMA((2,)),
        ],
    )
    def k(d_hbm, ones_hbm, z128_hbm, cnts_hbm, cacc, ones_v, idx_v, isem):
        c = lax.axis_index("core")
        s = lax.axis_index("subcore")
        first, cntw = _tile_plan(c, s)
        nb = s * NP_TILE
        pltpu.sync_copy(ones_hbm, ones_v)
        pltpu.sync_copy(z128_hbm.at[pl.ds(nb, NP_TILE)],
                        cacc.at[pl.ds(nb, NP_TILE)])
        plsc.subcore_barrier()

        def start(i, bb):
            base = (first + i) * SC_K
            pltpu.async_copy(d_hbm.at[pl.ds(base, SC_K)], idx_v.at[bb],
                             isem.at[bb])

        def step(i, bb):
            @pl.when(i < cntw)
            def _():
                pltpu.make_async_copy(d_hbm.at[pl.ds(0, SC_K)],
                                      idx_v.at[bb], isem.at[bb]).wait()
                pltpu.sync_copy(ones_v, cacc.at[idx_v.at[bb]], add=True)

                @pl.when(i + 2 < cntw)
                def _():
                    start(i + 2, bb)

        start(0, 0)
        start(1, 1)

        @pl.loop(0, 20)
        def _(j):
            step(j * 2, 0)
            step(j * 2 + 1, 1)

        plsc.subcore_barrier()
        pltpu.sync_copy(cacc.at[pl.ds(nb, NP_TILE)],
                        cnts_hbm.at[c].at[pl.ds(nb, NP_TILE)])

    return k(dst, ones128, zeros128)


def kernel(x, rel_ids, dst_index, W, b, gamma, beta):
    rel2 = rel_ids.reshape(N, 1)
    wcat = W.transpose(1, 0, 2).reshape(D, R * D).astype(jnp.bfloat16)
    zeros128 = jnp.zeros((NODES_PAD, D), jnp.float32)
    ones128 = jnp.ones((SC_K, D), jnp.float32)
    cnts = _sc_counts(dst_index, ones128, zeros128)

    h, s1, s2, cnt = pl.pallas_call(
        _k1,
        grid=(NBLK,),
        in_specs=[
            pl.BlockSpec((BLK, D), lambda i: (i, 0)),
            pl.BlockSpec((BLK, 1), lambda i: (i, 0)),
            pl.BlockSpec((D, R * D), lambda i: (0, 0)),
        ],
        out_specs=[
            pl.BlockSpec((BLK, D), lambda i: (i, 0)),
            pl.BlockSpec((R, D), lambda i: (0, 0)),
            pl.BlockSpec((R, D), lambda i: (0, 0)),
            pl.BlockSpec((R, D), lambda i: (0, 0)),
        ],
        out_shape=[
            jax.ShapeDtypeStruct((N, D), jnp.bfloat16),
            jax.ShapeDtypeStruct((R, D), jnp.float32),
            jax.ShapeDtypeStruct((R, D), jnp.float32),
            jax.ShapeDtypeStruct((R, D), jnp.float32),
        ],
        compiler_params=pltpu.CompilerParams(
            dimension_semantics=("arbitrary",)),
    )(x, rel2, wcat)

    z = pl.pallas_call(
        _k2,
        grid=(NBLK,),
        in_specs=[
            pl.BlockSpec((BLK, D), lambda i: (i, 0)),
            pl.BlockSpec((BLK, 1), lambda i: (i, 0)),
            pl.BlockSpec((R, D), lambda i: (0, 0)),
            pl.BlockSpec((R, D), lambda i: (0, 0)),
            pl.BlockSpec((R, D), lambda i: (0, 0)),
            pl.BlockSpec((R, D), lambda i: (0, 0)),
            pl.BlockSpec((R, D), lambda i: (0, 0)),
        ],
        out_specs=pl.BlockSpec((BLK, D), lambda i: (i, 0)),
        out_shape=jax.ShapeDtypeStruct((N, D), jnp.float32),
        compiler_params=pltpu.CompilerParams(
            dimension_semantics=("arbitrary",)),
    )(h, rel2, s1, s2, cnt, gamma, beta)

    sums = _sc_pool(z, dst_index, zeros128)

    out = pl.pallas_call(
        _k4,
        grid=(10,),
        in_specs=[
            pl.BlockSpec((SC_CORES, NODES // 10, D), lambda i: (0, i, 0)),
            pl.BlockSpec((SC_CORES, NODES // 10, D), lambda i: (0, i, 0)),
        ],
        out_specs=pl.BlockSpec((NODES // 10, D), lambda i: (i, 0)),
        out_shape=jax.ShapeDtypeStruct((NODES, D), jnp.float32),
    )(sums, cnts)
    return out

# --- scband reference (transcript-rebuilt; emitter-appended) ---
"""Pipeline reference for scband-encoder-24240795419242 (READ-ONLY COPY).

The authoritative reference and input builder live on the scoring server;
editing this copy changes nothing except your own understanding.
"""

import jax, jax.numpy as jnp
import numpy as np

N_ROWS = 160000
DIM = 128
R = 16
NUM_NODES = 10000
EPS = 1e-5


def setup_inputs(seed: int = 0) -> dict:
    key = jax.random.key(seed)
    ks = jax.random.split(key, 6)
    x = jax.random.normal(ks[0], (N_ROWS, DIM), dtype=jnp.float32)
    rel_ids = jax.random.randint(ks[1], (N_ROWS,), 0, R, dtype=jnp.int32)
    dst_index = jax.random.randint(ks[2], (N_ROWS,), 0, NUM_NODES, dtype=jnp.int32)
    # learned parameters: per-relation TransitionBlock (Linear + BatchNorm affine)
    W = jax.random.normal(ks[3], (R, DIM, DIM), dtype=jnp.float32) * (1.0 / np.sqrt(DIM))
    b = jnp.zeros((R, DIM), dtype=jnp.float32)
    gamma = jnp.ones((R, DIM), dtype=jnp.float32)
    beta = jnp.zeros((R, DIM), dtype=jnp.float32)
    return {"x": x, "rel_ids": rel_ids, "dst_index": dst_index, "W": W, "b": b, "gamma": gamma, "beta": beta}


def reference(x, rel_ids, dst_index, W, b, gamma, beta):
    # TransitionLayer: rows are bundled by relation space r in [0, R); even r -> transformH[r//2],
    # odd r -> transformT[r//2]. We store the interleaved blocks as W[r], b[r], gamma[r], beta[r].
    z = jnp.zeros_like(x)
    for r in range(R):
        mask = rel_ids == r
        maskf = mask.astype(x.dtype)[:, None]
        n = jnp.sum(maskf)
        h = x @ W[r] + b[r]  # Linear (row-wise; identical per row to gathered variant)
        # BatchNorm1d (training mode, batch statistics, biased variance) applied when batch > 1
        mean = jnp.sum(h * maskf, axis=0) / n
        var = jnp.sum(((h - mean) ** 2) * maskf, axis=0) / n
        h = (h - mean) / jnp.sqrt(var + EPS) * gamma[r] + beta[r]
        h = jax.nn.relu(h)
        z = jnp.where(mask[:, None], h, z)  # place transformed rows back in their slots
    # PoolingLayer('avg'): average all rows assigned to each target entity
    ones = jnp.ones((z.shape[0],), dtype=z.dtype)
    s = jax.ops.segment_sum(z, dst_index, num_segments=NUM_NODES)
    c = jax.ops.segment_sum(ones, dst_index, num_segments=NUM_NODES)
    out = s / jnp.maximum(c, 1.0)[:, None]
    return out

if __name__ == "__main__":
    import jax
    _d = setup_inputs()
    print(jax.jit(kernel)(*tuple(_d.values())))

</pallas_src>

<mosaic_0001>
#map = affine_map<(d0, d1) -> (0)>
#map1 = affine_map<(d0, d1) -> (0, 0)>
#map2 = affine_map<(d0, d1) -> (0, 0, 0)>
module attributes {stable_mosaic.version = 14 : i64} {
  func.func @k(%arg0: i32, %arg1: i32, %arg2: memref<160000xi32, #tpu.memory_space<hbm>>, %arg3: memref<128x128xf32, #tpu.memory_space<hbm>>, %arg4: memref<10240x128xf32, #tpu.memory_space<hbm>>, %arg5: memref<2x10240x128xf32, #tpu.memory_space<hbm>>, %arg6: memref<10240x128xf32, #tpu.memory_space<vmem_shared>>, %arg7: memref<128x128xf32, #tpu.memory_space<vmem>>, %arg8: memref<2x128xi32, #tpu.memory_space<vmem>>, %arg9: memref<2x!tpu.dma_semaphore, #tpu.memory_space<semaphore_mem>>) attributes {dimension_semantics = [#tpu.dimension_semantics<core_parallel>, #tpu.dimension_semantics<subcore_parallel>], iteration_bounds = array<i64: 2, 16>, scalar_prefetch = 0 : i64, scratch_operands = 4 : i64, tpu.core_type = #tpu.core_type<sc_vector_subcore>, window_params = [{transform_indices = #map}, {transform_indices = #map1}, {transform_indices = #map1}, {transform_indices = #map2}]} {
    %mul3A = arith.constant 16 : i32
    %mul3A_0 = arith.muli %arg0, %mul3A : i32
    %add3A = arith.addi %mul3A_0, %arg1 : i32
    %mul3A_1 = arith.constant 39 : i32
    %mul3A_2 = arith.muli %add3A, %mul3A_1 : i32
    %min3A = arith.constant 2 : i32
    %min3A_3 = arith.minsi %add3A, %min3A : i32
    %add3A_4 = arith.addi %mul3A_2, %min3A_3 : i32
    %lt3A = arith.constant 2 : i32
    %lt3A_5 = arith.cmpi slt, %add3A, %lt3A : i32
    %jit3A = arith.constant 40 : i32
    %jit3A_6 = arith.constant 39 : i32
    %select_n3A = arith.select %lt3A_5, %jit3A, %jit3A_6 : i32
    %mul3A_7 = arith.constant 640 : i32
    %mul3A_8 = arith.muli %arg1, %mul3A_7 : i32
    "tpu.region"() ({
      %run_scoped3A = tpu.sem_alloc : memref<!tpu.dma_semaphore, #tpu.memory_space<semaphore_mem>>
      tpu.enqueue_dma source(%arg3 : memref<128x128xf32, #tpu.memory_space<hbm>>) target(%arg7 : memref<128x128xf32, #tpu.memory_space<vmem>>) target_semaphore(%run_scoped3A : memref<!tpu.dma_semaphore, #tpu.memory_space<semaphore_mem>>)
      tpu.wait_dma2 semaphore(%run_scoped3A : memref<!tpu.dma_semaphore, #tpu.memory_space<semaphore_mem>>) src(%arg3 : memref<128x128xf32, #tpu.memory_space<hbm>>) dst(%arg7 : memref<128x128xf32, #tpu.memory_space<vmem>>)
      tpu.yield
    }) : () -> ()
    "tpu.region"() ({
      %run_scoped3A = tpu.sem_alloc : memref<!tpu.dma_semaphore, #tpu.memory_space<semaphore_mem>>
      %dma_start3A_45 = arith.constant 0 : i32
      %dma_start3A_46 = tpu.memref_slice %arg6[%mul3A_8, %dma_start3A_45] : memref<10240x128xf32, #tpu.memory_space<vmem_shared>> -> memref<640x128xf32, #tpu.memory_space<vmem_shared>>
      %dma_start3A_47 = arith.constant 0 : i32
      %dma_start3A_48 = tpu.memref_slice %arg4[%mul3A_8, %dma_start3A_47] : memref<10240x128xf32, #tpu.memory_space<hbm>> -> memref<640x128xf32, #tpu.memory_space<hbm>>
      tpu.enqueue_dma source(%dma_start3A_48 : memref<640x128xf32, #tpu.memory_space<hbm>>) target(%dma_start3A_46 : memref<640x128xf32, #tpu.memory_space<vmem_shared>>) target_semaphore(%run_scoped3A : memref<!tpu.dma_semaphore, #tpu.memory_space<semaphore_mem>>)
      %dma_wait3A = arith.constant 0 : i32
      %dma_wait3A_49 = tpu.memref_slice %arg6[%mul3A_8, %dma_wait3A] : memref<10240x128xf32, #tpu.memory_space<vmem_shared>> -> memref<640x128xf32, #tpu.memory_space<vmem_shared>>
      %dma_wait3A_50 = arith.constant 0 : i32
      %dma_wait3A_51 = tpu.memref_slice %arg4[%mul3A_8, %dma_wait3A_50] : memref<10240x128xf32, #tpu.memory_space<hbm>> -> memref<640x128xf32, #tpu.memory_space<hbm>>
      tpu.wait_dma2 semaphore(%run_scoped3A : memref<!tpu.dma_semaphore, #tpu.memory_space<semaphore_mem>>) src(%dma_wait3A_51 : memref<640x128xf32, #tpu.memory_space<hbm>>) dst(%dma_wait3A_49 : memref<640x128xf32, #tpu.memory_space<vmem_shared>>)
      tpu.yield
    }) : () -> ()
    %barrier3A = arith.constant 0 : index
    tpu.barrier barrier_id(%barrier3A)
    %add3A_9 = arith.constant 0 : i32
    %add3A_10 = arith.addi %add3A_4, %add3A_9 : i32
    %mul3A_11 = arith.constant 128 : i32
    %mul3A_12 = arith.muli %add3A_10, %mul3A_11 : i32
    %dma_start3A = arith.constant 0 : i32
    %dma_start3A_13 = arith.constant 0 : i32
    %dma_start3A_14 = arith.constant 0 : i32
    %dma_start3A_15 = tpu.memref_slice %arg8[%dma_start3A, %dma_start3A_14] : memref<2x128xi32, #tpu.memory_space<vmem>> -> memref<1x128xi32, #tpu.memory_space<vmem>>
    %dma_start3A_16 = tpu.memref_squeeze %dma_start3A_15 : memref<1x128xi32, #tpu.memory_space<vmem>> -> memref<128xi32, #tpu.memory_space<vmem>>
    %dma_start3A_17 = tpu.memref_slice %arg2[%mul3A_12] : memref<160000xi32, #tpu.memory_space<hbm>> -> memref<128xi32, #tpu.memory_space<hbm>>
    %dma_start3A_18 = tpu.memref_slice %arg9[%dma_start3A_13] : memref<2x!tpu.dma_semaphore, #tpu.memory_space<semaphore_mem>> -> memref<1x!tpu.dma_semaphore, #tpu.memory_space<semaphore_mem>>
    %dma_start3A_19 = tpu.memref_squeeze %dma_start3A_18 : memref<1x!tpu.dma_semaphore, #tpu.memory_space<semaphore_mem>> -> memref<!tpu.dma_semaphore, #tpu.memory_space<semaphore_mem>>
    %dma_start3A_20 = arith.constant 0 : i32
    %dma_start3A_21 = tpu.memref_slice %arg8[%dma_start3A, %dma_start3A_20] : memref<2x128xi32, #tpu.memory_space<vmem>> -> memref<1x128xi32, #tpu.memory_space<vmem>>
    %dma_start3A_22 = tpu.memref_squeeze %dma_start3A_21 : memref<1x128xi32, #tpu.memory_space<vmem>> -> memref<128xi32, #tpu.memory_space<vmem>>
    %dma_start3A_23 = tpu.memref_slice %arg2[%mul3A_12] : memref<160000xi32, #tpu.memory_space<hbm>> -> memref<128xi32, #tpu.memory_space<hbm>>
    tpu.enqueue_dma source(%dma_start3A_23 : memref<128xi32, #tpu.memory_space<hbm>>) target(%dma_start3A_22 : memref<128xi32, #tpu.memory_space<vmem>>) target_semaphore(%dma_start3A_19 : memref<!tpu.dma_semaphore, #tpu.memory_space<semaphore_mem>>)
    %add3A_24 = arith.constant 1 : i32
    %add3A_25 = arith.addi %add3A_4, %add3A_24 : i32
    %mul3A_26 = arith.constant 128 : i32
    %mul3A_27 = arith.muli %add3A_25, %mul3A_26 : i32
    %dma_start3A_28 = arith.constant 1 : i32
    %dma_start3A_29 = arith.constant 1 : i32
    %dma_start3A_30 = arith.constant 0 : i32
    %dma_start3A_31 = tpu.memref_slice %arg8[%dma_start3A_28, %dma_start3A_30] : memref<2x128xi32, #tpu.memory_space<vmem>> -> memref<1x128xi32, #tpu.memory_space<vmem>>
    %dma_start3A_32 = tpu.memref_squeeze %dma_start3A_31 : memref<1x128xi32, #tpu.memory_space<vmem>> -> memref<128xi32, #tpu.memory_space<vmem>>
    %dma_start3A_33 = tpu.memref_slice %arg2[%mul3A_27] : memref<160000xi32, #tpu.memory_space<hbm>> -> memref<128xi32, #tpu.memory_space<hbm>>
    %dma_start3A_34 = tpu.memref_slice %arg9[%dma_start3A_29] : memref<2x!tpu.dma_semaphore, #tpu.memory_space<semaphore_mem>> -> memref<1x!tpu.dma_semaphore, #tpu.memory_space<semaphore_mem>>
    %dma_start3A_35 = tpu.memref_squeeze %dma_start3A_34 : memref<1x!tpu.dma_semaphore, #tpu.memory_space<semaphore_mem>> -> memref<!tpu.dma_semaphore, #tpu.memory_space<semaphore_mem>>
    %dma_start3A_36 = arith.constant 0 : i32
    %dma_start3A_37 = tpu.memref_slice %arg8[%dma_start3A_28, %dma_start3A_36] : memref<2x128xi32, #tpu.memory_space<vmem>> -> memref<1x128xi32, #tpu.memory_space<vmem>>
    %dma_start3A_38 = tpu.memref_squeeze %dma_start3A_37 : memref<1x128xi32, #tpu.memory_space<vmem>> -> memref<128xi32, #tpu.memory_space<vmem>>
    %dma_start3A_39 = tpu.memref_slice %arg2[%mul3A_27] : memref<160000xi32, #tpu.memory_space<hbm>> -> memref<128xi32, #tpu.memory_space<hbm>>
    tpu.enqueue_dma source(%dma_start3A_39 : memref<128xi32, #tpu.memory_space<hbm>>) target(%dma_start3A_38 : memref<128xi32, #tpu.memory_space<vmem>>) target_semaphore(%dma_start3A_35 : memref<!tpu.dma_semaphore, #tpu.memory_space<semaphore_mem>>)
    %scan3A = arith.constant 0 : i32
    %scan3A_40 = arith.constant 20 : i32
    %scan3A_41 = arith.addi %scan3A, %scan3A_40 : i32
    %scan3A_42 = arith.constant 1 : i32
    scf.for %scan3A_45 = %scan3A to %scan3A_41 step %scan3A_42  : i32 {
      %mul3A_46 = arith.constant 1 : i32
      %mul3A_47 = arith.muli %scan3A_45, %mul3A_46 : i32
      %add3A_48 = arith.constant 0 : i32
      %add3A_49 = arith.addi %add3A_48, %mul3A_47 : i32
      %mul3A_50 = arith.constant 2 : i32
      %mul3A_51 = arith.muli %add3A_49, %mul3A_50 : i32
      %lt3A_52 = arith.cmpi slt, %mul3A_51, %select_n3A : i32
      %convert_element_type3A = arith.extui %lt3A_52 : i1 to i32
      %cond3A = arith.constant 0 : i32
      %cond3A_53 = arith.cmpi ne, %convert_element_type3A, %cond3A : i32
      scf.if %cond3A_53 {
        %dma_wait3A = arith.constant 0 : i32
        %dma_wait3A_62 = arith.constant 0 : i32
        %dma_wait3A_63 = arith.constant 0 : i32
        %dma_wait3A_64 = tpu.memref_slice %arg8[%dma_wait3A, %dma_wait3A_63] : memref<2x128xi32, #tpu.memory_space<vmem>> -> memref<1x128xi32, #tpu.memory_space<vmem>>
        %dma_wait3A_65 = tpu.memref_squeeze %dma_wait3A_64 : memref<1x128xi32, #tpu.memory_space<vmem>> -> memref<128xi32, #tpu.memory_space<vmem>>
        %dma_wait3A_66 = arith.constant 0 : i32
        %dma_wait3A_67 = tpu.memref_slice %arg2[%dma_wait3A_66] : memref<160000xi32, #tpu.memory_space<hbm>> -> memref<128xi32, #tpu.memory_space<hbm>>
        %dma_wait3A_68 = tpu.memref_slice %arg9[%dma_wait3A_62] : memref<2x!tpu.dma_semaphore, #tpu.memory_space<semaphore_mem>> -> memref<1x!tpu.dma_semaphore, #tpu.memory_space<semaphore_mem>>
        %dma_wait3A_69 = tpu.memref_squeeze %dma_wait3A_68 : memref<1x!tpu.dma_semaphore, #tpu.memory_space<semaphore_mem>> -> memref<!tpu.dma_semaphore, #tpu.memory_space<semaphore_mem>>
        %dma_wait3A_70 = arith.constant 0 : i32
        %dma_wait3A_71 = tpu.memref_slice %arg8[%dma_wait3A, %dma_wait3A_70] : memref<2x128xi32, #tpu.memory_space<vmem>> -> memref<1x128xi32, #tpu.memory_space<vmem>>
        %dma_wait3A_72 = tpu.memref_squeeze %dma_wait3A_71 : memref<1x128xi32, #tpu.memory_space<vmem>> -> memref<128xi32, #tpu.memory_space<vmem>>
        %dma_wait3A_73 = arith.constant 0 : i32
        %dma_wait3A_74 = tpu.memref_slice %arg2[%dma_wait3A_73] : memref<160000xi32, #tpu.memory_space<hbm>> -> memref<128xi32, #tpu.memory_space<hbm>>
        tpu.wait_dma2 semaphore(%dma_wait3A_69 : memref<!tpu.dma_semaphore, #tpu.memory_space<semaphore_mem>>) src(%dma_wait3A_74 : memref<128xi32, #tpu.memory_space<hbm>>) dst(%dma_wait3A_72 : memref<128xi32, #tpu.memory_space<vmem>>)
        %run_scoped3A = arith.constant 0 : i32
        "tpu.region"() ({
          %run_scoped3A_81 = tpu.sem_alloc : memref<!tpu.dma_semaphore, #tpu.memory_space<semaphore_mem>>
          %dma_start3A_82 = arith.constant 0 : i32
          %dma_start3A_83 = tpu.memref_slice %arg8[%run_scoped3A, %dma_start3A_82] : memref<2x128xi32, #tpu.memory_space<vmem>> -> memref<1x128xi32, #tpu.memory_space<vmem>>
          %dma_start3A_84 = tpu.memref_squeeze %dma_start3A_83 : memref<1x128xi32, #tpu.memory_space<vmem>> -> memref<128xi32, #tpu.memory_space<vmem>>
          %dma_start3A_85 = arith.constant 0 : i32
          %dma_start3A_86 = arith.constant 0 : i32
          %dma_start3A_87 = tpu.memref_slice %arg6[%dma_start3A_85, %dma_start3A_86] : memref<10240x128xf32, #tpu.memory_space<vmem_shared>> -> memref<10240x128xf32, #tpu.memory_space<vmem_shared>>
          tpu.enqueue_indirect_dma source(%arg7 : memref<128x128xf32, #tpu.memory_space<vmem>>) target(%dma_start3A_87 : memref<10240x128xf32, #tpu.memory_space<vmem_shared>>) offsets(%dma_start3A_84 : memref<128xi32, #tpu.memory_space<vmem>>) semaphore(%run_scoped3A_81 : memref<!tpu.dma_semaphore, #tpu.memory_space<semaphore_mem>>) {add = true}
          %dma_wait3A_88 = arith.constant 0 : i32
          %dma_wait3A_89 = tpu.memref_slice %arg8[%run_scoped3A, %dma_wait3A_88] : memref<2x128xi32, #tpu.memory_space<vmem>> -> memref<1x128xi32, #tpu.memory_space<vmem>>
          %dma_wait3A_90 = tpu.memref_squeeze %dma_wait3A_89 : memref<1x128xi32, #tpu.memory_space<vmem>> -> memref<128xi32, #tpu.memory_space<vmem>>
          %dma_wait3A_91 = arith.constant 0 : i32
          %dma_wait3A_92 = arith.constant 0 : i32
          %dma_wait3A_93 = tpu.memref_slice %arg6[%dma_wait3A_91, %dma_wait3A_92] : memref<10240x128xf32, #tpu.memory_space<vmem_shared>> -> memref<10240x128xf32, #tpu.memory_space<vmem_shared>>
          tpu.wait_indirect_dma semaphore(%run_scoped3A_81 : memref<!tpu.dma_semaphore, #tpu.memory_space<semaphore_mem>>) src(%arg7 : memref<128x128xf32, #tpu.memory_space<vmem>>) dst(%dma_wait3A_93 : memref<10240x128xf32, #tpu.memory_space<vmem_shared>>)
          tpu.yield
        }) : () -> ()
        %add3A_75 = arith.constant 2 : i32
        %add3A_76 = arith.addi %mul3A_51, %add3A_75 : i32
        %lt3A_77 = arith.cmpi slt, %add3A_76, %select_n3A : i32
        %convert_element_type3A_78 = arith.extui %lt3A_77 : i1 to i32
        %cond3A_79 = arith.constant 0 : i32
        %cond3A_80 = arith.cmpi ne, %convert_element_type3A_78, %cond3A_79 : i32
        scf.if %cond3A_80 {
          %add3A_81 = arith.constant 2 : i32
          %add3A_82 = arith.addi %mul3A_51, %add3A_81 : i32
          %add3A_83 = arith.addi %add3A_4, %add3A_82 : i32
          %mul3A_84 = arith.constant 128 : i32
          %mul3A_85 = arith.muli %add3A_83, %mul3A_84 : i32
          %dma_start3A_86 = arith.constant 0 : i32
          %dma_start3A_87 = arith.constant 0 : i32
          %dma_start3A_88 = arith.constant 0 : i32
          %dma_start3A_89 = tpu.memref_slice %arg8[%dma_start3A_86, %dma_start3A_88] : memref<2x128xi32, #tpu.memory_space<vmem>> -> memref<1x128xi32, #tpu.memory_space<vmem>>
          %dma_start3A_90 = tpu.memref_squeeze %dma_start3A_89 : memref<1x128xi32, #tpu.memory_space<vmem>> -> memref<128xi32, #tpu.memory_space<vmem>>
          %dma_start3A_91 = tpu.memref_slice %arg2[%mul3A_85] : memref<160000xi32, #tpu.memory_space<hbm>> -> memref<128xi32, #tpu.memory_space<hbm>>
          %dma_start3A_92 = tpu.memref_slice %arg9[%dma_start3A_87] : memref<2x!tpu.dma_semaphore, #tpu.memory_space<semaphore_mem>> -> memref<1x!tpu.dma_semaphore, #tpu.memory_space<semaphore_mem>>
          %dma_start3A_93 = tpu.memref_squeeze %dma_start3A_92 : memref<1x!tpu.dma_semaphore, #tpu.memory_space<semaphore_mem>> -> memref<!tpu.dma_semaphore, #tpu.memory_space<semaphore_mem>>
          %dma_start3A_94 = arith.constant 0 : i32
          %dma_start3A_95 = tpu.memref_slice %arg8[%dma_start3A_86, %dma_start3A_94] : memref<2x128xi32, #tpu.memory_space<vmem>> -> memref<1x128xi32, #tpu.memory_space<vmem>>
          %dma_start3A_96 = tpu.memref_squeeze %dma_start3A_95 : memref<1x128xi32, #tpu.memory_space<vmem>> -> memref<128xi32, #tpu.memory_space<vmem>>
          %dma_start3A_97 = tpu.memref_slice %arg2[%mul3A_85] : memref<160000xi32, #tpu.memory_space<hbm>> -> memref<128xi32, #tpu.memory_space<hbm>>
          tpu.enqueue_dma source(%dma_start3A_97 : memref<128xi32, #tpu.memory_space<hbm>>) target(%dma_start3A_96 : memref<128xi32, #tpu.memory_space<vmem>>) target_semaphore(%dma_start3A_93 : memref<!tpu.dma_semaphore, #tpu.memory_space<semaphore_mem>>)
        } else {
        }
      } else {
      }
      %mul3A_54 = arith.constant 2 : i32
      %mul3A_55 = arith.muli %add3A_49, %mul3A_54 : i32
      %add3A_56 = arith.constant 1 : i32
      %add3A_57 = arith.addi %mul3A_55, %add3A_56 : i32
      %lt3A_58 = arith.cmpi slt, %add3A_57, %select_n3A : i32
      %convert_element_type3A_59 = arith.extui %lt3A_58 : i1 to i32
      %cond3A_60 = arith.constant 0 : i32
      %cond3A_61 = arith.cmpi ne, %convert_element_type3A_59, %cond3A_60 : i32
      scf.if %cond3A_61 {
        %dma_wait3A = arith.constant 1 : i32
        %dma_wait3A_62 = arith.constant 1 : i32
        %dma_wait3A_63 = arith.constant 0 : i32
        %dma_wait3A_64 = tpu.memref_slice %arg8[%dma_wait3A, %dma_wait3A_63] : memref<2x128xi32, #tpu.memory_space<vmem>> -> memref<1x128xi32, #tpu.memory_space<vmem>>
        %dma_wait3A_65 = tpu.memref_squeeze %dma_wait3A_64 : memref<1x128xi32, #tpu.memory_space<vmem>> -> memref<128xi32, #tpu.memory_space<vmem>>
        %dma_wait3A_66 = arith.constant 0 : i32
        %dma_wait3A_67 = tpu.memref_slice %arg2[%dma_wait3A_66] : memref<160000xi32, #tpu.memory_space<hbm>> -> memref<128xi32, #tpu.memory_space<hbm>>
        %dma_wait3A_68 = tpu.memref_slice %arg9[%dma_wait3A_62] : memref<2x!tpu.dma_semaphore, #tpu.memory_space<semaphore_mem>> -> memref<1x!tpu.dma_semaphore, #tpu.memory_space<semaphore_mem>>
        %dma_wait3A_69 = tpu.memref_squeeze %dma_wait3A_68 : memref<1x!tpu.dma_semaphore, #tpu.memory_space<semaphore_mem>> -> memref<!tpu.dma_semaphore, #tpu.memory_space<semaphore_mem>>
        %dma_wait3A_70 = arith.constant 0 : i32
        %dma_wait3A_71 = tpu.memref_slice %arg8[%dma_wait3A, %dma_wait3A_70] : memref<2x128xi32, #tpu.memory_space<vmem>> -> memref<1x128xi32, #tpu.memory_space<vmem>>
        %dma_wait3A_72 = tpu.memref_squeeze %dma_wait3A_71 : memref<1x128xi32, #tpu.memory_space<vmem>> -> memref<128xi32, #tpu.memory_space<vmem>>
        %dma_wait3A_73 = arith.constant 0 : i32
        %dma_wait3A_74 = tpu.memref_slice %arg2[%dma_wait3A_73] : memref<160000xi32, #tpu.memory_space<hbm>> -> memref<128xi32, #tpu.memory_space<hbm>>
        tpu.wait_dma2 semaphore(%dma_wait3A_69 : memref<!tpu.dma_semaphore, #tpu.memory_space<semaphore_mem>>) src(%dma_wait3A_74 : memref<128xi32, #tpu.memory_space<hbm>>) dst(%dma_wait3A_72 : memref<128xi32, #tpu.memory_space<vmem>>)
        %run_scoped3A = arith.constant 1 : i32
        "tpu.region"() ({
          %run_scoped3A_81 = tpu.sem_alloc : memref<!tpu.dma_semaphore, #tpu.memory_space<semaphore_mem>>
          %dma_start3A_82 = arith.constant 0 : i32
          %dma_start3A_83 = tpu.memref_slice %arg8[%run_scoped3A, %dma_start3A_82] : memref<2x128xi32, #tpu.memory_space<vmem>> -> memref<1x128xi32, #tpu.memory_space<vmem>>
          %dma_start3A_84 = tpu.memref_squeeze %dma_start3A_83 : memref<1x128xi32, #tpu.memory_space<vmem>> -> memref<128xi32, #tpu.memory_space<vmem>>
          %dma_start3A_85 = arith.constant 0 : i32
          %dma_start3A_86 = arith.constant 0 : i32
          %dma_start3A_87 = tpu.memref_slice %arg6[%dma_start3A_85, %dma_start3A_86] : memref<10240x128xf32, #tpu.memory_space<vmem_shared>> -> memref<10240x128xf32, #tpu.memory_space<vmem_shared>>
          tpu.enqueue_indirect_dma source(%arg7 : memref<128x128xf32, #tpu.memory_space<vmem>>) target(%dma_start3A_87 : memref<10240x128xf32, #tpu.memory_space<vmem_shared>>) offsets(%dma_start3A_84 : memref<128xi32, #tpu.memory_space<vmem>>) semaphore(%run_scoped3A_81 : memref<!tpu.dma_semaphore, #tpu.memory_space<semaphore_mem>>) {add = true}
          %dma_wait3A_88 = arith.constant 0 : i32
          %dma_wait3A_89 = tpu.memref_slice %arg8[%run_scoped3A, %dma_wait3A_88] : memref<2x128xi32, #tpu.memory_space<vmem>> -> memref<1x128xi32, #tpu.memory_space<vmem>>
          %dma_wait3A_90 = tpu.memref_squeeze %dma_wait3A_89 : memref<1x128xi32, #tpu.memory_space<vmem>> -> memref<128xi32, #tpu.memory_space<vmem>>
          %dma_wait3A_91 = arith.constant 0 : i32
          %dma_wait3A_92 = arith.constant 0 : i32
          %dma_wait3A_93 = tpu.memref_slice %arg6[%dma_wait3A_91, %dma_wait3A_92] : memref<10240x128xf32, #tpu.memory_space<vmem_shared>> -> memref<10240x128xf32, #tpu.memory_space<vmem_shared>>
          tpu.wait_indirect_dma semaphore(%run_scoped3A_81 : memref<!tpu.dma_semaphore, #tpu.memory_space<semaphore_mem>>) src(%arg7 : memref<128x128xf32, #tpu.memory_space<vmem>>) dst(%dma_wait3A_93 : memref<10240x128xf32, #tpu.memory_space<vmem_shared>>)
          tpu.yield
        }) : () -> ()
        %add3A_75 = arith.constant 2 : i32
        %add3A_76 = arith.addi %add3A_57, %add3A_75 : i32
        %lt3A_77 = arith.cmpi slt, %add3A_76, %select_n3A : i32
        %convert_element_type3A_78 = arith.extui %lt3A_77 : i1 to i32
        %cond3A_79 = arith.constant 0 : i32
        %cond3A_80 = arith.cmpi ne, %convert_element_type3A_78, %cond3A_79 : i32
        scf.if %cond3A_80 {
          %add3A_81 = arith.constant 2 : i32
          %add3A_82 = arith.addi %add3A_57, %add3A_81 : i32
          %add3A_83 = arith.addi %add3A_4, %add3A_82 : i32
          %mul3A_84 = arith.constant 128 : i32
          %mul3A_85 = arith.muli %add3A_83, %mul3A_84 : i32
          %dma_start3A_86 = arith.constant 1 : i32
          %dma_start3A_87 = arith.constant 1 : i32
          %dma_start3A_88 = arith.constant 0 : i32
          %dma_start3A_89 = tpu.memref_slice %arg8[%dma_start3A_86, %dma_start3A_88] : memref<2x128xi32, #tpu.memory_space<vmem>> -> memref<1x128xi32, #tpu.memory_space<vmem>>
          %dma_start3A_90 = tpu.memref_squeeze %dma_start3A_89 : memref<1x128xi32, #tpu.memory_space<vmem>> -> memref<128xi32, #tpu.memory_space<vmem>>
          %dma_start3A_91 = tpu.memref_slice %arg2[%mul3A_85] : memref<160000xi32, #tpu.memory_space<hbm>> -> memref<128xi32, #tpu.memory_space<hbm>>
          %dma_start3A_92 = tpu.memref_slice %arg9[%dma_start3A_87] : memref<2x!tpu.dma_semaphore, #tpu.memory_space<semaphore_mem>> -> memref<1x!tpu.dma_semaphore, #tpu.memory_space<semaphore_mem>>
          %dma_start3A_93 = tpu.memref_squeeze %dma_start3A_92 : memref<1x!tpu.dma_semaphore, #tpu.memory_space<semaphore_mem>> -> memref<!tpu.dma_semaphore, #tpu.memory_space<semaphore_mem>>
          %dma_start3A_94 = arith.constant 0 : i32
          %dma_start3A_95 = tpu.memref_slice %arg8[%dma_start3A_86, %dma_start3A_94] : memref<2x128xi32, #tpu.memory_space<vmem>> -> memref<1x128xi32, #tpu.memory_space<vmem>>
          %dma_start3A_96 = tpu.memref_squeeze %dma_start3A_95 : memref<1x128xi32, #tpu.memory_space<vmem>> -> memref<128xi32, #tpu.memory_space<vmem>>
          %dma_start3A_97 = tpu.memref_slice %arg2[%mul3A_85] : memref<160000xi32, #tpu.memory_space<hbm>> -> memref<128xi32, #tpu.memory_space<hbm>>
          tpu.enqueue_dma source(%dma_start3A_97 : memref<128xi32, #tpu.memory_space<hbm>>) target(%dma_start3A_96 : memref<128xi32, #tpu.memory_space<vmem>>) target_semaphore(%dma_start3A_93 : memref<!tpu.dma_semaphore, #tpu.memory_space<semaphore_mem>>)
        } else {
        }
      } else {
      }
    }
    %scan3A_43 = arith.constant 20 : i32
    %barrier3A_44 = arith.constant 0 : index
    tpu.barrier barrier_id(%barrier3A_44)
    "tpu.region"() ({
      %run_scoped3A = tpu.sem_alloc : memref<!tpu.dma_semaphore, #tpu.memory_space<semaphore_mem>>
      %dma_start3A_45 = arith.constant 0 : i32
      %dma_start3A_46 = arith.constant 0 : i32
      %dma_start3A_47 = tpu.memref_slice %arg5[%arg0, %dma_start3A_45, %dma_start3A_46] : memref<2x10240x128xf32, #tpu.memory_space<hbm>> -> memref<1x10240x128xf32, #tpu.memory_space<hbm>>
      %dma_start3A_48 = tpu.memref_squeeze %dma_start3A_47 : memref<1x10240x128xf32, #tpu.memory_space<hbm>> -> memref<10240x128xf32, #tpu.memory_space<hbm>>
      %dma_start3A_49 = arith.constant 0 : i32
      %dma_start3A_50 = tpu.memref_slice %dma_start3A_48[%mul3A_8, %dma_start3A_49] : memref<10240x128xf32, #tpu.memory_space<hbm>> -> memref<640x128xf32, #tpu.memory_space<hbm>>
      %dma_start3A_51 = arith.constant 0 : i32
      %dma_start3A_52 = tpu.memref_slice %arg6[%mul3A_8, %dma_start3A_51] : memref<10240x128xf32, #tpu.memory_space<vmem_shared>> -> memref<640x128xf32, #tpu.memory_space<vmem_shared>>
      tpu.enqueue_dma source(%dma_start3A_52 : memref<640x128xf32, #tpu.memory_space<vmem_shared>>) target(%dma_start3A_50 : memref<640x128xf32, #tpu.memory_space<hbm>>) target_semaphore(%run_scoped3A : memref<!tpu.dma_semaphore, #tpu.memory_space<semaphore_mem>>)
      %dma_wait3A = arith.constant 0 : i32
      %dma_wait3A_53 = arith.constant 0 : i32
      %dma_wait3A_54 = tpu.memref_slice %arg5[%arg0, %dma_wait3A, %dma_wait3A_53] : memref<2x10240x128xf32, #tpu.memory_space<hbm>> -> memref<1x10240x128xf32, #tpu.memory_space<hbm>>
      %dma_wait3A_55 = tpu.memref_squeeze %dma_wait3A_54 : memref<1x10240x128xf32, #tpu.memory_space<hbm>> -> memref<10240x128xf32, #tpu.memory_space<hbm>>
      %dma_wait3A_56 = arith.constant 0 : i32
      %dma_wait3A_57 = tpu.memref_slice %dma_wait3A_55[%mul3A_8, %dma_wait3A_56] : memref<10240x128xf32, #tpu.memory_space<hbm>> -> memref<640x128xf32, #tpu.memory_space<hbm>>
      %dma_wait3A_58 = arith.constant 0 : i32
      %dma_wait3A_59 = tpu.memref_slice %arg6[%mul3A_8, %dma_wait3A_58] : memref<10240x128xf32, #tpu.memory_space<vmem_shared>> -> memref<640x128xf32, #tpu.memory_space<vmem_shared>>
      tpu.wait_dma2 semaphore(%run_scoped3A : memref<!tpu.dma_semaphore, #tpu.memory_space<semaphore_mem>>) src(%dma_wait3A_59 : memref<640x128xf32, #tpu.memory_space<vmem_shared>>) dst(%dma_wait3A_57 : memref<640x128xf32, #tpu.memory_space<hbm>>)
      tpu.yield
    }) : () -> ()
    return
  }
}

#map = affine_map<(d0, d1) -> (0, 0)>
#map1 = affine_map<(d0, d1) -> (0)>
#map2 = affine_map<(d0, d1) -> (0, 0, 0)>
module attributes {stable_mosaic.version = 14 : i64} {
  func.func @k(%arg0: i32, %arg1: i32, %arg2: memref<160000x128xf32, #tpu.memory_space<hbm>>, %arg3: memref<160000xi32, #tpu.memory_space<hbm>>, %arg4: memref<10240x128xf32, #tpu.memory_space<hbm>>, %arg5: memref<2x10240x128xf32, #tpu.memory_space<hbm>>, %arg6: memref<10240x128xf32, #tpu.memory_space<vmem_shared>>, %arg7: memref<2x128x128xf32, #tpu.memory_space<vmem>>, %arg8: memref<2x128xi32, #tpu.memory_space<vmem>>, %arg9: memref<2x!tpu.dma_semaphore, #tpu.memory_space<semaphore_mem>>, %arg10: memref<2x!tpu.dma_semaphore, #tpu.memory_space<semaphore_mem>>) attributes {dimension_semantics = [#tpu.dimension_semantics<core_parallel>, #tpu.dimension_semantics<subcore_parallel>], iteration_bounds = array<i64: 2, 16>, scalar_prefetch = 0 : i64, scratch_operands = 5 : i64, tpu.core_type = #tpu.core_type<sc_vector_subcore>, window_params = [{transform_indices = #map}, {transform_indices = #map1}, {transform_indices = #map}, {transform_indices = #map2}]} {
    %mul3A = arith.constant 16 : i32
    %mul3A_0 = arith.muli %arg0, %mul3A : i32
    %add3A = arith.addi %mul3A_0, %arg1 : i32
    %mul3A_1 = arith.constant 39 : i32
    %mul3A_2 = arith.muli %add3A, %mul3A_1 : i32
    %min3A = arith.constant 2 : i32
    %min3A_3 = arith.minsi %add3A, %min3A : i32
    %add3A_4 = arith.addi %mul3A_2, %min3A_3 : i32
    %lt3A = arith.constant 2 : i32
    %lt3A_5 = arith.cmpi slt, %add3A, %lt3A : i32
    %jit3A = arith.constant 40 : i32
    %jit3A_6 = arith.constant 39 : i32
    %select_n3A = arith.select %lt3A_5, %jit3A, %jit3A_6 : i32
    %mul3A_7 = arith.constant 640 : i32
    %mul3A_8 = arith.muli %arg1, %mul3A_7 : i32
    "tpu.region"() ({
      %run_scoped3A = tpu.sem_alloc : memref<!tpu.dma_semaphore, #tpu.memory_space<semaphore_mem>>
      %dma_start3A_77 = arith.constant 0 : i32
      %dma_start3A_78 = tpu.memref_slice %arg6[%mul3A_8, %dma_start3A_77] : memref<10240x128xf32, #tpu.memory_space<vmem_shared>> -> memref<640x128xf32, #tpu.memory_space<vmem_shared>>
      %dma_start3A_79 = arith.constant 0 : i32
      %dma_start3A_80 = tpu.memref_slice %arg4[%mul3A_8, %dma_start3A_79] : memref<10240x128xf32, #tpu.memory_space<hbm>> -> memref<640x128xf32, #tpu.memory_space<hbm>>
      tpu.enqueue_dma source(%dma_start3A_80 : memref<640x128xf32, #tpu.memory_space<hbm>>) target(%dma_start3A_78 : memref<640x128xf32, #tpu.memory_space<vmem_shared>>) target_semaphore(%run_scoped3A : memref<!tpu.dma_semaphore, #tpu.memory_space<semaphore_mem>>)
      %dma_wait3A = arith.constant 0 : i32
      %dma_wait3A_81 = tpu.memref_slice %arg6[%mul3A_8, %dma_wait3A] : memref<10240x128xf32, #tpu.memory_space<vmem_shared>> -> memref<640x128xf32, #tpu.memory_space<vmem_shared>>
      %dma_wait3A_82 = arith.constant 0 : i32
      %dma_wait3A_83 = tpu.memref_slice %arg4[%mul3A_8, %dma_wait3A_82] : memref<10240x128xf32, #tpu.memory_space<hbm>> -> memref<640x128xf32, #tpu.memory_space<hbm>>
      tpu.wait_dma2 semaphore(%run_scoped3A : memref<!tpu.dma_semaphore, #tpu.memory_space<semaphore_mem>>) src(%dma_wait3A_83 : memref<640x128xf32, #tpu.memory_space<hbm>>) dst(%dma_wait3A_81 : memref<640x128xf32, #tpu.memory_space<vmem_shared>>)
      tpu.yield
    }) : () -> ()
    %barrier3A = arith.constant 0 : index
    tpu.barrier barrier_id(%barrier3A)
    %add3A_9 = arith.constant 0 : i32
    %add3A_10 = arith.addi %add3A_4, %add3A_9 : i32
    %mul3A_11 = arith.constant 128 : i32
    %mul3A_12 = arith.muli %add3A_10, %mul3A_11 : i32
    %dma_start3A = arith.constant 0 : i32
    %dma_start3A_13 = arith.constant 0 : i32
    %dma_start3A_14 = arith.constant 0 : i32
    %dma_start3A_15 = arith.constant 0 : i32
    %dma_start3A_16 = tpu.memref_slice %arg7[%dma_start3A, %dma_start3A_14, %dma_start3A_15] : memref<2x128x128xf32, #tpu.memory_space<vmem>> -> memref<1x128x128xf32, #tpu.memory_space<vmem>>
    %dma_start3A_17 = tpu.memref_squeeze %dma_start3A_16 : memref<1x128x128xf32, #tpu.memory_space<vmem>> -> memref<128x128xf32, #tpu.memory_space<vmem>>
    %dma_start3A_18 = arith.constant 0 : i32
    %dma_start3A_19 = tpu.memref_slice %arg2[%mul3A_12, %dma_start3A_18] : memref<160000x128xf32, #tpu.memory_space<hbm>> -> memref<128x128xf32, #tpu.memory_space<hbm>>
    %dma_start3A_20 = tpu.memref_slice %arg9[%dma_start3A_13] : memref<2x!tpu.dma_semaphore, #tpu.memory_space<semaphore_mem>> -> memref<1x!tpu.dma_semaphore, #tpu.memory_space<semaphore_mem>>
    %dma_start3A_21 = tpu.memref_squeeze %dma_start3A_20 : memref<1x!tpu.dma_semaphore, #tpu.memory_space<semaphore_mem>> -> memref<!tpu.dma_semaphore, #tpu.memory_space<semaphore_mem>>
    %dma_start3A_22 = arith.constant 0 : i32
    %dma_start3A_23 = arith.constant 0 : i32
    %dma_start3A_24 = tpu.memref_slice %arg7[%dma_start3A, %dma_start3A_22, %dma_start3A_23] : memref<2x128x128xf32, #tpu.memory_space<vmem>> -> memref<1x128x128xf32, #tpu.memory_space<vmem>>
    %dma_start3A_25 = tpu.memref_squeeze %dma_start3A_24 : memref<1x128x128xf32, #tpu.memory_space<vmem>> -> memref<128x128xf32, #tpu.memory_space<vmem>>
    %dma_start3A_26 = arith.constant 0 : i32
    %dma_start3A_27 = tpu.memref_slice %arg2[%mul3A_12, %dma_start3A_26] : memref<160000x128xf32, #tpu.memory_space<hbm>> -> memref<128x128xf32, #tpu.memory_space<hbm>>
    tpu.enqueue_dma source(%dma_start3A_27 : memref<128x128xf32, #tpu.memory_space<hbm>>) target(%dma_start3A_25 : memref<128x128xf32, #tpu.memory_space<vmem>>) target_semaphore(%dma_start3A_21 : memref<!tpu.dma_semaphore, #tpu.memory_space<semaphore_mem>>)
    %dma_start3A_28 = arith.constant 0 : i32
    %dma_start3A_29 = arith.constant 0 : i32
    %dma_start3A_30 = arith.constant 0 : i32
    %dma_start3A_31 = tpu.memref_slice %arg8[%dma_start3A_28, %dma_start3A_30] : memref<2x128xi32, #tpu.memory_space<vmem>> -> memref<1x128xi32, #tpu.memory_space<vmem>>
    %dma_start3A_32 = tpu.memref_squeeze %dma_start3A_31 : memref<1x128xi32, #tpu.memory_space<vmem>> -> memref<128xi32, #tpu.memory_space<vmem>>
    %dma_start3A_33 = tpu.memref_slice %arg3[%mul3A_12] : memref<160000xi32, #tpu.memory_space<hbm>> -> memref<128xi32, #tpu.memory_space<hbm>>
    %dma_start3A_34 = tpu.memref_slice %arg10[%dma_start3A_29] : memref<2x!tpu.dma_semaphore, #tpu.memory_space<semaphore_mem>> -> memref<1x!tpu.dma_semaphore, #tpu.memory_space<semaphore_mem>>
    %dma_start3A_35 = tpu.memref_squeeze %dma_start3A_34 : memref<1x!tpu.dma_semaphore, #tpu.memory_space<semaphore_mem>> -> memref<!tpu.dma_semaphore, #tpu.memory_space<semaphore_mem>>
    %dma_start3A_36 = arith.constant 0 : i32
    %dma_start3A_37 = tpu.memref_slice %arg8[%dma_start3A_28, %dma_start3A_36] : memref<2x128xi32, #tpu.memory_space<vmem>> -> memref<1x128xi32, #tpu.memory_space<vmem>>
    %dma_start3A_38 = tpu.memref_squeeze %dma_start3A_37 : memref<1x128xi32, #tpu.memory_space<vmem>> -> memref<128xi32, #tpu.memory_space<vmem>>
    %dma_start3A_39 = tpu.memref_slice %arg3[%mul3A_12] : memref<160000xi32, #tpu.memory_space<hbm>> -> memref<128xi32, #tpu.memory_space<hbm>>
    tpu.enqueue_dma source(%dma_start3A_39 : memref<128xi32, #tpu.memory_space<hbm>>) target(%dma_start3A_38 : memref<128xi32, #tpu.memory_space<vmem>>) target_semaphore(%dma_start3A_35 : memref<!tpu.dma_semaphore, #tpu.memory_space<semaphore_mem>>)
    %add3A_40 = arith.constant 1 : i32
    %add3A_41 = arith.addi %add3A_4, %add3A_40 : i32
    %mul3A_42 = arith.constant 128 : i32
    %mul3A_43 = arith.muli %add3A_41, %mul3A_42 : i32
    %dma_start3A_44 = arith.constant 1 : i32
    %dma_start3A_45 = arith.constant 1 : i32
    %dma_start3A_46 = arith.constant 0 : i32
    %dma_start3A_47 = arith.constant 0 : i32
    %dma_start3A_48 = tpu.memref_slice %arg7[%dma_start3A_44, %dma_start3A_46, %dma_start3A_47] : memref<2x128x128xf32, #tpu.memory_space<vmem>> -> memref<1x128x128xf32, #tpu.memory_space<vmem>>
    %dma_start3A_49 = tpu.memref_squeeze %dma_start3A_48 : memref<1x128x128xf32, #tpu.memory_space<vmem>> -> memref<128x128xf32, #tpu.memory_space<vmem>>
    %dma_start3A_50 = arith.constant 0 : i32
    %dma_start3A_51 = tpu.memref_slice %arg2[%mul3A_43, %dma_start3A_50] : memref<160000x128xf32, #tpu.memory_space<hbm>> -> memref<128x128xf32, #tpu.memory_space<hbm>>
    %dma_start3A_52 = tpu.memref_slice %arg9[%dma_start3A_45] : memref<2x!tpu.dma_semaphore, #tpu.memory_space<semaphore_mem>> -> memref<1x!tpu.dma_semaphore, #tpu.memory_space<semaphore_mem>>
    %dma_start3A_53 = tpu.memref_squeeze %dma_start3A_52 : memref<1x!tpu.dma_semaphore, #tpu.memory_space<semaphore_mem>> -> memref<!tpu.dma_semaphore, #tpu.memory_space<semaphore_mem>>
    %dma_start3A_54 = arith.constant 0 : i32
    %dma_start3A_55 = arith.constant 0 : i32
    %dma_start3A_56 = tpu.memref_slice %arg7[%dma_start3A_44, %dma_start3A_54, %dma_start3A_55] : memref<2x128x128xf32, #tpu.memory_space<vmem>> -> memref<1x128x128xf32, #tpu.memory_space<vmem>>
    %dma_start3A_57 = tpu.memref_squeeze %dma_start3A_56 : memref<1x128x128xf32, #tpu.memory_space<vmem>> -> memref<128x128xf32, #tpu.memory_space<vmem>>
    %dma_start3A_58 = arith.constant 0 : i32
    %dma_start3A_59 = tpu.memref_slice %arg2[%mul3A_43, %dma_start3A_58] : memref<160000x128xf32, #tpu.memory_space<hbm>> -> memref<128x128xf32, #tpu.memory_space<hbm>>
    tpu.enqueue_dma source(%dma_start3A_59 : memref<128x128xf32, #tpu.memory_space<hbm>>) target(%dma_start3A_57 : memref<128x128xf32, #tpu.memory_space<vmem>>) target_semaphore(%dma_start3A_53 : memref<!tpu.dma_semaphore, #tpu.memory_space<semaphore_mem>>)
    %dma_start3A_60 = arith.constant 1 : i32
    %dma_start3A_61 = arith.constant 1 : i32
    %dma_start3A_62 = arith.constant 0 : i32
    %dma_start3A_63 = tpu.memref_slice %arg8[%dma_start3A_60, %dma_start3A_62] : memref<2x128xi32, #tpu.memory_space<vmem>> -> memref<1x128xi32, #tpu.memory_space<vmem>>
    %dma_start3A_64 = tpu.memref_squeeze %dma_start3A_63 : memref<1x128xi32, #tpu.memory_space<vmem>> -> memref<128xi32, #tpu.memory_space<vmem>>
    %dma_start3A_65 = tpu.memref_slice %arg3[%mul3A_43] : memref<160000xi32, #tpu.memory_space<hbm>> -> memref<128xi32, #tpu.memory_space<hbm>>
    %dma_start3A_66 = tpu.memref_slice %arg10[%dma_start3A_61] : memref<2x!tpu.dma_semaphore, #tpu.memory_space<semaphore_mem>> -> memref<1x!tpu.dma_semaphore, #tpu.memory_space<semaphore_mem>>
    %dma_start3A_67 = tpu.memref_squeeze %dma_start3A_66 : memref<1x!tpu.dma_semaphore, #tpu.memory_space<semaphore_mem>> -> memref<!tpu.dma_semaphore, #tpu.memory_space<semaphore_mem>>
    %dma_start3A_68 = arith.constant 0 : i32
    %dma_start3A_69 = tpu.memref_slice %arg8[%dma_start3A_60, %dma_start3A_68] : memref<2x128xi32, #tpu.memory_space<vmem>> -> memref<1x128xi32, #tpu.memory_space<vmem>>
    %dma_start3A_70 = tpu.memref_squeeze %dma_start3A_69 : memref<1x128xi32, #tpu.memory_space<vmem>> -> memref<128xi32, #tpu.memory_space<vmem>>
    %dma_start3A_71 = tpu.memref_slice %arg3[%mul3A_43] : memref<160000xi32, #tpu.memory_space<hbm>> -> memref<128xi32, #tpu.memory_space<hbm>>
    tpu.enqueue_dma source(%dma_start3A_71 : memref<128xi32, #tpu.memory_space<hbm>>) target(%dma_start3A_70 : memref<128xi32, #tpu.memory_space<vmem>>) target_semaphore(%dma_start3A_67 : memref<!tpu.dma_semaphore, #tpu.memory_space<semaphore_mem>>)
    %scan3A = arith.constant 0 : i32
    %scan3A_72 = arith.constant 20 : i32
    %scan3A_73 = arith.addi %scan3A, %scan3A_72 : i32
    %scan3A_74 = arith.constant 1 : i32
    scf.for %scan3A_77 = %scan3A to %scan3A_73 step %scan3A_74  : i32 {
      %mul3A_78 = arith.constant 1 : i32
      %mul3A_79 = arith.muli %scan3A_77, %mul3A_78 : i32
      %add3A_80 = arith.constant 0 : i32
      %add3A_81 = arith.addi %add3A_80, %mul3A_79 : i32
      %mul3A_82 = arith.constant 2 : i32
      %mul3A_83 = arith.muli %add3A_81, %mul3A_82 : i32
      %lt3A_84 = arith.cmpi slt, %mul3A_83, %select_n3A : i32
      %convert_element_type3A = arith.extui %lt3A_84 : i1 to i32
      %cond3A = arith.constant 0 : i32
      %cond3A_85 = arith.cmpi ne, %convert_element_type3A, %cond3A : i32
      scf.if %cond3A_85 {
        %dma_wait3A = arith.constant 0 : i32
        %dma_wait3A_94 = arith.constant 0 : i32
        %dma_wait3A_95 = arith.constant 0 : i32
        %dma_wait3A_96 = arith.constant 0 : i32
        %dma_wait3A_97 = tpu.memref_slice %arg7[%dma_wait3A, %dma_wait3A_95, %dma_wait3A_96] : memref<2x128x128xf32, #tpu.memory_space<vmem>> -> memref<1x128x128xf32, #tpu.memory_space<vmem>>
        %dma_wait3A_98 = tpu.memref_squeeze %dma_wait3A_97 : memref<1x128x128xf32, #tpu.memory_space<vmem>> -> memref<128x128xf32, #tpu.memory_space<vmem>>
        %dma_wait3A_99 = arith.constant 0 : i32
        %dma_wait3A_100 = arith.constant 0 : i32
        %dma_wait3A_101 = tpu.memref_slice %arg2[%dma_wait3A_99, %dma_wait3A_100] : memref<160000x128xf32, #tpu.memory_space<hbm>> -> memref<128x128xf32, #tpu.memory_space<hbm>>
        %dma_wait3A_102 = tpu.memref_slice %arg9[%dma_wait3A_94] : memref<2x!tpu.dma_semaphore, #tpu.memory_space<semaphore_mem>> -> memref<1x!tpu.dma_semaphore, #tpu.memory_space<semaphore_mem>>
        %dma_wait3A_103 = tpu.memref_squeeze %dma_wait3A_102 : memref<1x!tpu.dma_semaphore, #tpu.memory_space<semaphore_mem>> -> memref<!tpu.dma_semaphore, #tpu.memory_space<semaphore_mem>>
        %dma_wait3A_104 = arith.constant 0 : i32
        %dma_wait3A_105 = arith.constant 0 : i32
        %dma_wait3A_106 = tpu.memref_slice %arg7[%dma_wait3A, %dma_wait3A_104, %dma_wait3A_105] : memref<2x128x128xf32, #tpu.memory_space<vmem>> -> memref<1x128x128xf32, #tpu.memory_space<vmem>>
        %dma_wait3A_107 = tpu.memref_squeeze %dma_wait3A_106 : memref<1x128x128xf32, #tpu.memory_space<vmem>> -> memref<128x128xf32, #tpu.memory_space<vmem>>
        %dma_wait3A_108 = arith.constant 0 : i32
        %dma_wait3A_109 = arith.constant 0 : i32
        %dma_wait3A_110 = tpu.memref_slice %arg2[%dma_wait3A_108, %dma_wait3A_109] : memref<160000x128xf32, #tpu.memory_space<hbm>> -> memref<128x128xf32, #tpu.memory_space<hbm>>
        tpu.wait_dma2 semaphore(%dma_wait3A_103 : memref<!tpu.dma_semaphore, #tpu.memory_space<semaphore_mem>>) src(%dma_wait3A_110 : memref<128x128xf32, #tpu.memory_space<hbm>>) dst(%dma_wait3A_107 : memref<128x128xf32, #tpu.memory_space<vmem>>)
        %dma_wait3A_111 = arith.constant 0 : i32
        %dma_wait3A_112 = arith.constant 0 : i32
        %dma_wait3A_113 = arith.constant 0 : i32
        %dma_wait3A_114 = tpu.memref_slice %arg8[%dma_wait3A_111, %dma_wait3A_113] : memref<2x128xi32, #tpu.memory_space<vmem>> -> memref<1x128xi32, #tpu.memory_space<vmem>>
        %dma_wait3A_115 = tpu.memref_squeeze %dma_wait3A_114 : memref<1x128xi32, #tpu.memory_space<vmem>> -> memref<128xi32, #tpu.memory_space<vmem>>
        %dma_wait3A_116 = arith.constant 0 : i32
        %dma_wait3A_117 = tpu.memref_slice %arg3[%dma_wait3A_116] : memref<160000xi32, #tpu.memory_space<hbm>> -> memref<128xi32, #tpu.memory_space<hbm>>
        %dma_wait3A_118 = tpu.memref_slice %arg10[%dma_wait3A_112] : memref<2x!tpu.dma_semaphore, #tpu.memory_space<semaphore_mem>> -> memref<1x!tpu.dma_semaphore, #tpu.memory_space<semaphore_mem>>
        %dma_wait3A_119 = tpu.memref_squeeze %dma_wait3A_118 : memref<1x!tpu.dma_semaphore, #tpu.memory_space<semaphore_mem>> -> memref<!tpu.dma_semaphore, #tpu.memory_space<semaphore_mem>>
        %dma_wait3A_120 = arith.constant 0 : i32
        %dma_wait3A_121 = tpu.memref_slice %arg8[%dma_wait3A_111, %dma_wait3A_120] : memref<2x128xi32, #tpu.memory_space<vmem>> -> memref<1x128xi32, #tpu.memory_space<vmem>>
        %dma_wait3A_122 = tpu.memref_squeeze %dma_wait3A_121 : memref<1x128xi32, #tpu.memory_space<vmem>> -> memref<128xi32, #tpu.memory_space<vmem>>
        %dma_wait3A_123 = arith.constant 0 : i32
        %dma_wait3A_124 = tpu.memref_slice %arg3[%dma_wait3A_123] : memref<160000xi32, #tpu.memory_space<hbm>> -> memref<128xi32, #tpu.memory_space<hbm>>
        tpu.wait_dma2 semaphore(%dma_wait3A_119 : memref<!tpu.dma_semaphore, #tpu.memory_space<semaphore_mem>>) src(%dma_wait3A_124 : memref<128xi32, #tpu.memory_space<hbm>>) dst(%dma_wait3A_122 : memref<128xi32, #tpu.memory_space<vmem>>)
        %run_scoped3A = arith.constant 0 : i32
        %run_scoped3A_125 = arith.constant 0 : i32
        "tpu.region"() ({
          %run_scoped3A_132 = tpu.sem_alloc : memref<!tpu.dma_semaphore, #tpu.memory_space<semaphore_mem>>
          %dma_start3A_133 = arith.constant 0 : i32
          %dma_start3A_134 = arith.constant 0 : i32
          %dma_start3A_135 = tpu.memref_slice %arg7[%run_scoped3A, %dma_start3A_133, %dma_start3A_134] : memref<2x128x128xf32, #tpu.memory_space<vmem>> -> memref<1x128x128xf32, #tpu.memory_space<vmem>>
          %dma_start3A_136 = tpu.memref_squeeze %dma_start3A_135 : memref<1x128x128xf32, #tpu.memory_space<vmem>> -> memref<128x128xf32, #tpu.memory_space<vmem>>
          %dma_start3A_137 = arith.constant 0 : i32
          %dma_start3A_138 = tpu.memref_slice %arg8[%run_scoped3A_125, %dma_start3A_137] : memref<2x128xi32, #tpu.memory_space<vmem>> -> memref<1x128xi32, #tpu.memory_space<vmem>>
          %dma_start3A_139 = tpu.memref_squeeze %dma_start3A_138 : memref<1x128xi32, #tpu.memory_space<vmem>> -> memref<128xi32, #tpu.memory_space<vmem>>
          %dma_start3A_140 = arith.constant 0 : i32
          %dma_start3A_141 = arith.constant 0 : i32
          %dma_start3A_142 = tpu.memref_slice %arg6[%dma_start3A_140, %dma_start3A_141] : memref<10240x128xf32, #tpu.memory_space<vmem_shared>> -> memref<10240x128xf32, #tpu.memory_space<vmem_shared>>
          tpu.enqueue_indirect_dma source(%dma_start3A_136 : memref<128x128xf32, #tpu.memory_space<vmem>>) target(%dma_start3A_142 : memref<10240x128xf32, #tpu.memory_space<vmem_shared>>) offsets(%dma_start3A_139 : memref<128xi32, #tpu.memory_space<vmem>>) semaphore(%run_scoped3A_132 : memref<!tpu.dma_semaphore, #tpu.memory_space<semaphore_mem>>) {add = true}
          %dma_wait3A_143 = arith.constant 0 : i32
          %dma_wait3A_144 = arith.constant 0 : i32
          %dma_wait3A_145 = tpu.memref_slice %arg7[%run_scoped3A, %dma_wait3A_143, %dma_wait3A_144] : memref<2x128x128xf32, #tpu.memory_space<vmem>> -> memref<1x128x128xf32, #tpu.memory_space<vmem>>
          %dma_wait3A_146 = tpu.memref_squeeze %dma_wait3A_145 : memref<1x128x128xf32, #tpu.memory_space<vmem>> -> memref<128x128xf32, #tpu.memory_space<vmem>>
          %dma_wait3A_147 = arith.constant 0 : i32
          %dma_wait3A_148 = tpu.memref_slice %arg8[%run_scoped3A_125, %dma_wait3A_147] : memref<2x128xi32, #tpu.memory_space<vmem>> -> memref<1x128xi32, #tpu.memory_space<vmem>>
          %dma_wait3A_149 = tpu.memref_squeeze %dma_wait3A_148 : memref<1x128xi32, #tpu.memory_space<vmem>> -> memref<128xi32, #tpu.memory_space<vmem>>
          %dma_wait3A_150 = arith.constant 0 : i32
          %dma_wait3A_151 = arith.constant 0 : i32
          %dma_wait3A_152 = tpu.memref_slice %arg6[%dma_wait3A_150, %dma_wait3A_151] : memref<10240x128xf32, #tpu.memory_space<vmem_shared>> -> memref<10240x128xf32, #tpu.memory_space<vmem_shared>>
          tpu.wait_indirect_dma semaphore(%run_scoped3A_132 : memref<!tpu.dma_semaphore, #tpu.memory_space<semaphore_mem>>) src(%dma_wait3A_146 : memref<128x128xf32, #tpu.memory_space<vmem>>) dst(%dma_wait3A_152 : memref<10240x128xf32, #tpu.memory_space<vmem_shared>>)
          tpu.yield
        }) : () -> ()
        %add3A_126 = arith.constant 2 : i32
        %add3A_127 = arith.addi %mul3A_83, %add3A_126 : i32
        %lt3A_128 = arith.cmpi slt, %add3A_127, %select_n3A : i32
        %convert_element_type3A_129 = arith.extui %lt3A_128 : i1 to i32
        %cond3A_130 = arith.constant 0 : i32
        %cond3A_131 = arith.cmpi ne, %convert_element_type3A_129, %cond3A_130 : i32
        scf.if %cond3A_131 {
          %add3A_132 = arith.constant 2 : i32
          %add3A_133 = arith.addi %mul3A_83, %add3A_132 : i32
          %add3A_134 = arith.addi %add3A_4, %add3A_133 : i32
          %mul3A_135 = arith.constant 128 : i32
          %mul3A_136 = arith.muli %add3A_134, %mul3A_135 : i32
          %dma_start3A_137 = arith.constant 0 : i32
          %dma_start3A_138 = arith.constant 0 : i32
          %dma_start3A_139 = arith.constant 0 : i32
          %dma_start3A_140 = arith.constant 0 : i32
          %dma_start3A_141 = tpu.memref_slice %arg7[%dma_start3A_137, %dma_start3A_139, %dma_start3A_140] : memref<2x128x128xf32, #tpu.memory_space<vmem>> -> memref<1x128x128xf32, #tpu.memory_space<vmem>>
          %dma_start3A_142 = tpu.memref_squeeze %dma_start3A_141 : memref<1x128x128xf32, #tpu.memory_space<vmem>> -> memref<128x128xf32, #tpu.memory_space<vmem>>
          %dma_start3A_143 = arith.constant 0 : i32
          %dma_start3A_144 = tpu.memref_slice %arg2[%mul3A_136, %dma_start3A_143] : memref<160000x128xf32, #tpu.memory_space<hbm>> -> memref<128x128xf32, #tpu.memory_space<hbm>>
          %dma_start3A_145 = tpu.memref_slice %arg9[%dma_start3A_138] : memref<2x!tpu.dma_semaphore, #tpu.memory_space<semaphore_mem>> -> memref<1x!tpu.dma_semaphore, #tpu.memory_space<semaphore_mem>>
          %dma_start3A_146 = tpu.memref_squeeze %dma_start3A_145 : memref<1x!tpu.dma_semaphore, #tpu.memory_space<semaphore_mem>> -> memref<!tpu.dma_semaphore, #tpu.memory_space<semaphore_mem>>
          %dma_start3A_147 = arith.constant 0 : i32
          %dma_start3A_148 = arith.constant 0 : i32
          %dma_start3A_149 = tpu.memref_slice %arg7[%dma_start3A_137, %dma_start3A_147, %dma_start3A_148] : memref<2x128x128xf32, #tpu.memory_space<vmem>> -> memref<1x128x128xf32, #tpu.memory_space<vmem>>
          %dma_start3A_150 = tpu.memref_squeeze %dma_start3A_149 : memref<1x128x128xf32, #tpu.memory_space<vmem>> -> memref<128x128xf32, #tpu.memory_space<vmem>>
          %dma_start3A_151 = arith.constant 0 : i32
          %dma_start3A_152 = tpu.memref_slice %arg2[%mul3A_136, %dma_start3A_151] : memref<160000x128xf32, #tpu.memory_space<hbm>> -> memref<128x128xf32, #tpu.memory_space<hbm>>
          tpu.enqueue_dma source(%dma_start3A_152 : memref<128x128xf32, #tpu.memory_space<hbm>>) target(%dma_start3A_150 : memref<128x128xf32, #tpu.memory_space<vmem>>) target_semaphore(%dma_start3A_146 : memref<!tpu.dma_semaphore, #tpu.memory_space<semaphore_mem>>)
          %dma_start3A_153 = arith.constant 0 : i32
          %dma_start3A_154 = arith.constant 0 : i32
          %dma_start3A_155 = arith.constant 0 : i32
          %dma_start3A_156 = tpu.memref_slice %arg8[%dma_start3A_153, %dma_start3A_155] : memref<2x128xi32, #tpu.memory_space<vmem>> -> memref<1x128xi32, #tpu.memory_space<vmem>>
          %dma_start3A_157 = tpu.memref_squeeze %dma_start3A_156 : memref<1x128xi32, #tpu.memory_space<vmem>> -> memref<128xi32, #tpu.memory_space<vmem>>
          %dma_start3A_158 = tpu.memref_slice %arg3[%mul3A_136] : memref<160000xi32, #tpu.memory_space<hbm>> -> memref<128xi32, #tpu.memory_space<hbm>>
          %dma_start3A_159 = tpu.memref_slice %arg10[%dma_start3A_154] : memref<2x!tpu.dma_semaphore, #tpu.memory_space<semaphore_mem>> -> memref<1x!tpu.dma_semaphore, #tpu.memory_space<semaphore_mem>>
          %dma_start3A_160 = tpu.memref_squeeze %dma_start3A_159 : memref<1x!tpu.dma_semaphore, #tpu.memory_space<semaphore_mem>> -> memref<!tpu.dma_semaphore, #tpu.memory_space<semaphore_mem>>
          %dma_start3A_161 = arith.constant 0 : i32
          %dma_start3A_162 = tpu.memref_slice %arg8[%dma_start3A_153, %dma_start3A_161] : memref<2x128xi32, #tpu.memory_space<vmem>> -> memref<1x128xi32, #tpu.memory_space<vmem>>
          %dma_start3A_163 = tpu.memref_squeeze %dma_start3A_162 : memref<1x128xi32, #tpu.memory_space<vmem>> -> memref<128xi32, #tpu.memory_space<vmem>>
          %dma_start3A_164 = tpu.memref_slice %arg3[%mul3A_136] : memref<160000xi32, #tpu.memory_space<hbm>> -> memref<128xi32, #tpu.memory_space<hbm>>
          tpu.enqueue_dma source(%dma_start3A_164 : memref<128xi32, #tpu.memory_space<hbm>>) target(%dma_start3A_163 : memref<128xi32, #tpu.memory_space<vmem>>) target_semaphore(%dma_start3A_160 : memref<!tpu.dma_semaphore, #tpu.memory_space<semaphore_mem>>)
        } else {
        }
      } else {
      }
      %mul3A_86 = arith.constant 2 : i32
      %mul3A_87 = arith.muli %add3A_81, %mul3A_86 : i32
      %add3A_88 = arith.constant 1 : i32
      %add3A_89 = arith.addi %mul3A_87, %add3A_88 : i32
      %lt3A_90 = arith.cmpi slt, %add3A_89, %select_n3A : i32
      %convert_element_type3A_91 = arith.extui %lt3A_90 : i1 to i32
      %cond3A_92 = arith.constant 0 : i32
      %cond3A_93 = arith.cmpi ne, %convert_element_type3A_91, %cond3A_92 : i32
      scf.if %cond3A_93 {
        %dma_wait3A = arith.constant 1 : i32
        %dma_wait3A_94 = arith.constant 1 : i32
        %dma_wait3A_95 = arith.constant 0 : i32
        %dma_wait3A_96 = arith.constant 0 : i32
        %dma_wait3A_97 = tpu.memref_slice %arg7[%dma_wait3A, %dma_wait3A_95, %dma_wait3A_96] : memref<2x128x128xf32, #tpu.memory_space<vmem>> -> memref<1x128x128xf32, #tpu.memory_space<vmem>>
        %dma_wait3A_98 = tpu.memref_squeeze %dma_wait3A_97 : memref<1x128x128xf32, #tpu.memory_space<vmem>> -> memref<128x128xf32, #tpu.memory_space<vmem>>
        %dma_wait3A_99 = arith.constant 0 : i32
        %dma_wait3A_100 = arith.constant 0 : i32
        %dma_wait3A_101 = tpu.memref_slice %arg2[%dma_wait3A_99, %dma_wait3A_100] : memref<160000x128xf32, #tpu.memory_space<hbm>> -> memref<128x128xf32, #tpu.memory_space<hbm>>
        %dma_wait3A_102 = tpu.memref_slice %arg9[%dma_wait3A_94] : memref<2x!tpu.dma_semaphore, #tpu.memory_space<semaphore_mem>> -> memref<1x!tpu.dma_semaphore, #tpu.memory_space<semaphore_mem>>
        %dma_wait3A_103 = tpu.memref_squeeze %dma_wait3A_102 : memref<1x!tpu.dma_semaphore, #tpu.memory_space<semaphore_mem>> -> memref<!tpu.dma_semaphore, #tpu.memory_space<semaphore_mem>>
        %dma_wait3A_104 = arith.constant 0 : i32
        %dma_wait3A_105 = arith.constant 0 : i32
        %dma_wait3A_106 = tpu.memref_slice %arg7[%dma_wait3A, %dma_wait3A_104, %dma_wait3A_105] : memref<2x128x128xf32, #tpu.memory_space<vmem>> -> memref<1x128x128xf32, #tpu.memory_space<vmem>>
        %dma_wait3A_107 = tpu.memref_squeeze %dma_wait3A_106 : memref<1x128x128xf32, #tpu.memory_space<vmem>> -> memref<128x128xf32, #tpu.memory_space<vmem>>
        %dma_wait3A_108 = arith.constant 0 : i32
        %dma_wait3A_109 = arith.constant 0 : i32
        %dma_wait3A_110 = tpu.memref_slice %arg2[%dma_wait3A_108, %dma_wait3A_109] : memref<160000x128xf32, #tpu.memory_space<hbm>> -> memref<128x128xf32, #tpu.memory_space<hbm>>
        tpu.wait_dma2 semaphore(%dma_wait3A_103 : memref<!tpu.dma_semaphore, #tpu.memory_space<semaphore_mem>>) src(%dma_wait3A_110 : memref<128x128xf32, #tpu.memory_space<hbm>>) dst(%dma_wait3A_107 : memref<128x128xf32, #tpu.memory_space<vmem>>)
        %dma_wait3A_111 = arith.constant 1 : i32
        %dma_wait3A_112 = arith.constant 1 : i32
        %dma_wait3A_113 = arith.constant 0 : i32
        %dma_wait3A_114 = tpu.memref_slice %arg8[%dma_wait3A_111, %dma_wait3A_113] : memref<2x128xi32, #tpu.memory_space<vmem>> -> memref<1x128xi32, #tpu.memory_space<vmem>>
        %dma_wait3A_115 = tpu.memref_squeeze %dma_wait3A_114 : memref<1x128xi32, #tpu.memory_space<vmem>> -> memref<128xi32, #tpu.memory_space<vmem>>
        %dma_wait3A_116 = arith.constant 0 : i32
        %dma_wait3A_117 = tpu.memref_slice %arg3[%dma_wait3A_116] : memref<160000xi32, #tpu.memory_space<hbm>> -> memref<128xi32, #tpu.memory_space<hbm>>
        %dma_wait3A_118 = tpu.memref_slice %arg10[%dma_wait3A_112] : memref<2x!tpu.dma_semaphore, #tpu.memory_space<semaphore_mem>> -> memref<1x!tpu.dma_semaphore, #tpu.memory_space<semaphore_mem>>
        %dma_wait3A_119 = tpu.memref_squeeze %dma_wait3A_118 : memref<1x!tpu.dma_semaphore, #tpu.memory_space<semaphore_mem>> -> memref<!tpu.dma_semaphore, #tpu.memory_space<semaphore_mem>>
        %dma_wait3A_120 = arith.constant 0 : i32
        %dma_wait3A_121 = tpu.memref_slice %arg8[%dma_wait3A_111, %dma_wait3A_120] : memref<2x128xi32, #tpu.memory_space<vmem>> -> memref<1x128xi32, #tpu.memory_space<vmem>>
        %dma_wait3A_122 = tpu.memref_squeeze %dma_wait3A_121 : memref<1x128xi32, #tpu.memory_space<vmem>> -> memref<128xi32, #tpu.memory_space<vmem>>
        %dma_wait3A_123 = arith.constant 0 : i32
        %dma_wait3A_124 = tpu.memref_slice %arg3[%dma_wait3A_123] : memref<160000xi32, #tpu.memory_space<hbm>> -> memref<128xi32, #tpu.memory_space<hbm>>
        tpu.wait_dma2 semaphore(%dma_wait3A_119 : memref<!tpu.dma_semaphore, #tpu.memory_space<semaphore_mem>>) src(%dma_wait3A_124 : memref<128xi32, #tpu.memory_space<hbm>>) dst(%dma_wait3A_122 : memref<128xi32, #tpu.memory_space<vmem>>)
        %run_scoped3A = arith.constant 1 : i32
        %run_scoped3A_125 = arith.constant 1 : i32
        "tpu.region"() ({
          %run_scoped3A_132 = tpu.sem_alloc : memref<!tpu.dma_semaphore, #tpu.memory_space<semaphore_mem>>
          %dma_start3A_133 = arith.constant 0 : i32
          %dma_start3A_134 = arith.constant 0 : i32
          %dma_start3A_135 = tpu.memref_slice %arg7[%run_scoped3A, %dma_start3A_133, %dma_start3A_134] : memref<2x128x128xf32, #tpu.memory_space<vmem>> -> memref<1x128x128xf32, #tpu.memory_space<vmem>>
          %dma_start3A_136 = tpu.memref_squeeze %dma_start3A_135 : memref<1x128x128xf32, #tpu.memory_space<vmem>> -> memref<128x128xf32, #tpu.memory_space<vmem>>
          %dma_start3A_137 = arith.constant 0 : i32
          %dma_start3A_138 = tpu.memref_slice %arg8[%run_scoped3A_125, %dma_start3A_137] : memref<2x128xi32, #tpu.memory_space<vmem>> -> memref<1x128xi32, #tpu.memory_space<vmem>>
          %dma_start3A_139 = tpu.memref_squeeze %dma_start3A_138 : memref<1x128xi32, #tpu.memory_space<vmem>> -> memref<128xi32, #tpu.memory_space<vmem>>
          %dma_start3A_140 = arith.constant 0 : i32
          %dma_start3A_141 = arith.constant 0 : i32
          %dma_start3A_142 = tpu.memref_slice %arg6[%dma_start3A_140, %dma_start3A_141] : memref<10240x128xf32, #tpu.memory_space<vmem_shared>> -> memref<10240x128xf32, #tpu.memory_space<vmem_shared>>
          tpu.enqueue_indirect_dma source(%dma_start3A_136 : memref<128x128xf32, #tpu.memory_space<vmem>>) target(%dma_start3A_142 : memref<10240x128xf32, #tpu.memory_space<vmem_shared>>) offsets(%dma_start3A_139 : memref<128xi32, #tpu.memory_space<vmem>>) semaphore(%run_scoped3A_132 : memref<!tpu.dma_semaphore, #tpu.memory_space<semaphore_mem>>) {add = true}
          %dma_wait3A_143 = arith.constant 0 : i32
          %dma_wait3A_144 = arith.constant 0 : i32
          %dma_wait3A_145 = tpu.memref_slice %arg7[%run_scoped3A, %dma_wait3A_143, %dma_wait3A_144] : memref<2x128x128xf32, #tpu.memory_space<vmem>> -> memref<1x128x128xf32, #tpu.memory_space<vmem>>
          %dma_wait3A_146 = tpu.memref_squeeze %dma_wait3A_145 : memref<1x128x128xf32, #tpu.memory_space<vmem>> -> memref<128x128xf32, #tpu.memory_space<vmem>>
          %dma_wait3A_147 = arith.constant 0 : i32
          %dma_wait3A_148 = tpu.memref_slice %arg8[%run_scoped3A_125, %dma_wait3A_147] : memref<2x128xi32, #tpu.memory_space<vmem>> -> memref<1x128xi32, #tpu.memory_space<vmem>>
          %dma_wait3A_149 = tpu.memref_squeeze %dma_wait3A_148 : memref<1x128xi32, #tpu.memory_space<vmem>> -> memref<128xi32, #tpu.memory_space<vmem>>
          %dma_wait3A_150 = arith.constant 0 : i32
          %dma_wait3A_151 = arith.constant 0 : i32
          %dma_wait3A_152 = tpu.memref_slice %arg6[%dma_wait3A_150, %dma_wait3A_151] : memref<10240x128xf32, #tpu.memory_space<vmem_shared>> -> memref<10240x128xf32, #tpu.memory_space<vmem_shared>>
          tpu.wait_indirect_dma semaphore(%run_scoped3A_132 : memref<!tpu.dma_semaphore, #tpu.memory_space<semaphore_mem>>) src(%dma_wait3A_146 : memref<128x128xf32, #tpu.memory_space<vmem>>) dst(%dma_wait3A_152 : memref<10240x128xf32, #tpu.memory_space<vmem_shared>>)
          tpu.yield
        }) : () -> ()
        %add3A_126 = arith.constant 2 : i32
        %add3A_127 = arith.addi %add3A_89, %add3A_126 : i32
        %lt3A_128 = arith.cmpi slt, %add3A_127, %select_n3A : i32
        %convert_element_type3A_129 = arith.extui %lt3A_128 : i1 to i32
        %cond3A_130 = arith.constant 0 : i32
        %cond3A_131 = arith.cmpi ne, %convert_element_type3A_129, %cond3A_130 : i32
        scf.if %cond3A_131 {
          %add3A_132 = arith.constant 2 : i32
          %add3A_133 = arith.addi %add3A_89, %add3A_132 : i32
          %add3A_134 = arith.addi %add3A_4, %add3A_133 : i32
          %mul3A_135 = arith.constant 128 : i32
          %mul3A_136 = arith.muli %add3A_134, %mul3A_135 : i32
          %dma_start3A_137 = arith.constant 1 : i32
          %dma_start3A_138 = arith.constant 1 : i32
          %dma_start3A_139 = arith.constant 0 : i32
          %dma_start3A_140 = arith.constant 0 : i32
          %dma_start3A_141 = tpu.memref_slice %arg7[%dma_start3A_137, %dma_start3A_139, %dma_start3A_140] : memref<2x128x128xf32, #tpu.memory_space<vmem>> -> memref<1x128x128xf32, #tpu.memory_space<vmem>>
          %dma_start3A_142 = tpu.memref_squeeze %dma_start3A_141 : memref<1x128x128xf32, #tpu.memory_space<vmem>> -> memref<128x128xf32, #tpu.memory_space<vmem>>
          %dma_start3A_143 = arith.constant 0 : i32
          %dma_start3A_144 = tpu.memref_slice %arg2[%mul3A_136, %dma_start3A_143] : memref<160000x128xf32, #tpu.memory_space<hbm>> -> memref<128x128xf32, #tpu.memory_space<hbm>>
          %dma_start3A_145 = tpu.memref_slice %arg9[%dma_start3A_138] : memref<2x!tpu.dma_semaphore, #tpu.memory_space<semaphore_mem>> -> memref<1x!tpu.dma_semaphore, #tpu.memory_space<semaphore_mem>>
          %dma_start3A_146 = tpu.memref_squeeze %dma_start3A_145 : memref<1x!tpu.dma_semaphore, #tpu.memory_space<semaphore_mem>> -> memref<!tpu.dma_semaphore, #tpu.memory_space<semaphore_mem>>
          %dma_start3A_147 = arith.constant 0 : i32
          %dma_start3A_148 = arith.constant 0 : i32
          %dma_start3A_149 = tpu.memref_slice %arg7[%dma_start3A_137, %dma_start3A_147, %dma_start3A_148] : memref<2x128x128xf32, #tpu.memory_space<vmem>> -> memref<1x128x128xf32, #tpu.memory_space<vmem>>
          %dma_start3A_150 = tpu.memref_squeeze %dma_start3A_149 : memref<1x128x128xf32, #tpu.memory_space<vmem>> -> memref<128x128xf32, #tpu.memory_space<vmem>>
          %dma_start3A_151 = arith.constant 0 : i32
          %dma_start3A_152 = tpu.memref_slice %arg2[%mul3A_136, %dma_start3A_151] : memref<160000x128xf32, #tpu.memory_space<hbm>> -> memref<128x128xf32, #tpu.memory_space<hbm>>
          tpu.enqueue_dma source(%dma_start3A_152 : memref<128x128xf32, #tpu.memory_space<hbm>>) target(%dma_start3A_150 : memref<128x128xf32, #tpu.memory_space<vmem>>) target_semaphore(%dma_start3A_146 : memref<!tpu.dma_semaphore, #tpu.memory_space<semaphore_mem>>)
          %dma_start3A_153 = arith.constant 1 : i32
          %dma_start3A_154 = arith.constant 1 : i32
          %dma_start3A_155 = arith.constant 0 : i32
          %dma_start3A_156 = tpu.memref_slice %arg8[%dma_start3A_153, %dma_start3A_155] : memref<2x128xi32, #tpu.memory_space<vmem>> -> memref<1x128xi32, #tpu.memory_space<vmem>>
          %dma_start3A_157 = tpu.memref_squeeze %dma_start3A_156 : memref<1x128xi32, #tpu.memory_space<vmem>> -> memref<128xi32, #tpu.memory_space<vmem>>
          %dma_start3A_158 = tpu.memref_slice %arg3[%mul3A_136] : memref<160000xi32, #tpu.memory_space<hbm>> -> memref<128xi32, #tpu.memory_space<hbm>>
          %dma_start3A_159 = tpu.memref_slice %arg10[%dma_start3A_154] : memref<2x!tpu.dma_semaphore, #tpu.memory_space<semaphore_mem>> -> memref<1x!tpu.dma_semaphore, #tpu.memory_space<semaphore_mem>>
          %dma_start3A_160 = tpu.memref_squeeze %dma_start3A_159 : memref<1x!tpu.dma_semaphore, #tpu.memory_space<semaphore_mem>> -> memref<!tpu.dma_semaphore, #tpu.memory_space<semaphore_mem>>
          %dma_start3A_161 = arith.constant 0 : i32
          %dma_start3A_162 = tpu.memref_slice %arg8[%dma_start3A_153, %dma_start3A_161] : memref<2x128xi32, #tpu.memory_space<vmem>> -> memref<1x128xi32, #tpu.memory_space<vmem>>
          %dma_start3A_163 = tpu.memref_squeeze %dma_start3A_162 : memref<1x128xi32, #tpu.memory_space<vmem>> -> memref<128xi32, #tpu.memory_space<vmem>>
          %dma_start3A_164 = tpu.memref_slice %arg3[%mul3A_136] : memref<160000xi32, #tpu.memory_space<hbm>> -> memref<128xi32, #tpu.memory_space<hbm>>
          tpu.enqueue_dma source(%dma_start3A_164 : memref<128xi32, #tpu.memory_space<hbm>>) target(%dma_start3A_163 : memref<128xi32, #tpu.memory_space<vmem>>) target_semaphore(%dma_start3A_160 : memref<!tpu.dma_semaphore, #tpu.memory_space<semaphore_mem>>)
        } else {
        }
      } else {
      }
    }
    %scan3A_75 = arith.constant 20 : i32
    %barrier3A_76 = arith.constant 0 : index
    tpu.barrier barrier_id(%barrier3A_76)
    "tpu.region"() ({
      %run_scoped3A = tpu.sem_alloc : memref<!tpu.dma_semaphore, #tpu.memory_space<semaphore_mem>>
      %dma_start3A_77 = arith.constant 0 : i32
      %dma_start3A_78 = arith.constant 0 : i32
      %dma_start3A_79 = tpu.memref_slice %arg5[%arg0, %dma_start3A_77, %dma_start3A_78] : memref<2x10240x128xf32, #tpu.memory_space<hbm>> -> memref<1x10240x128xf32, #tpu.memory_space<hbm>>
      %dma_start3A_80 = tpu.memref_squeeze %dma_start3A_79 : memref<1x10240x128xf32, #tpu.memory_space<hbm>> -> memref<10240x128xf32, #tpu.memory_space<hbm>>
      %dma_start3A_81 = arith.constant 0 : i32
      %dma_start3A_82 = tpu.memref_slice %dma_start3A_80[%mul3A_8, %dma_start3A_81] : memref<10240x128xf32, #tpu.memory_space<hbm>> -> memref<640x128xf32, #tpu.memory_space<hbm>>
      %dma_start3A_83 = arith.constant 0 : i32
      %dma_start3A_84 = tpu.memref_slice %arg6[%mul3A_8, %dma_start3A_83] : memref<10240x128xf32, #tpu.memory_space<vmem_shared>> -> memref<640x128xf32, #tpu.memory_space<vmem_shared>>
      tpu.enqueue_dma source(%dma_start3A_84 : memref<640x128xf32, #tpu.memory_space<vmem_shared>>) target(%dma_start3A_82 : memref<640x128xf32, #tpu.memory_space<hbm>>) target_semaphore(%run_scoped3A : memref<!tpu.dma_semaphore, #tpu.memory_space<semaphore_mem>>)
      %dma_wait3A = arith.constant 0 : i32
      %dma_wait3A_85 = arith.constant 0 : i32
      %dma_wait3A_86 = tpu.memref_slice %arg5[%arg0, %dma_wait3A, %dma_wait3A_85] : memref<2x10240x128xf32, #tpu.memory_space<hbm>> -> memref<1x10240x128xf32, #tpu.memory_space<hbm>>
      %dma_wait3A_87 = tpu.memref_squeeze %dma_wait3A_86 : memref<1x10240x128xf32, #tpu.memory_space<hbm>> -> memref<10240x128xf32, #tpu.memory_space<hbm>>
      %dma_wait3A_88 = arith.constant 0 : i32
      %dma_wait3A_89 = tpu.memref_slice %dma_wait3A_87[%mul3A_8, %dma_wait3A_88] : memref<10240x128xf32, #tpu.memory_space<hbm>> -> memref<640x128xf32, #tpu.memory_space<hbm>>
      %dma_wait3A_90 = arith.constant 0 : i32
      %dma_wait3A_91 = tpu.memref_slice %arg6[%mul3A_8, %dma_wait3A_90] : memref<10240x128xf32, #tpu.memory_space<vmem_shared>> -> memref<640x128xf32, #tpu.memory_space<vmem_shared>>
      tpu.wait_dma2 semaphore(%run_scoped3A : memref<!tpu.dma_semaphore, #tpu.memory_space<semaphore_mem>>) src(%dma_wait3A_91 : memref<640x128xf32, #tpu.memory_space<vmem_shared>>) dst(%dma_wait3A_89 : memref<640x128xf32, #tpu.memory_space<hbm>>)
      tpu.yield
    }) : () -> ()
    return
  }
}

module attributes {stable_mosaic.version = 14 : i64} {
  func.func @_k2(%arg0: i32, %arg1: memref<1600x128xbf16, #tpu.memory_space<vmem>>, %arg2: memref<1600x1xi32, #tpu.memory_space<vmem>>, %arg3: memref<16x128xf32, #tpu.memory_space<vmem>>, %arg4: memref<16x128xf32, #tpu.memory_space<vmem>>, %arg5: memref<16x128xf32, #tpu.memory_space<vmem>>, %arg6: memref<16x128xf32, #tpu.memory_space<vmem>>, %arg7: memref<16x128xf32, #tpu.memory_space<vmem>>, %arg8: memref<1600x128xf32, #tpu.memory_space<vmem>>) attributes {dimension_semantics = [#tpu.dimension_semantics<arbitrary>], iteration_bounds = array<i64: 100>, scalar_prefetch = 0 : i64, scratch_operands = 0 : i64, tpu.core_type = #tpu.core_type<tc>, window_params = [{transform_indices = @transform_0, window_bounds = array<i64: 1600, 128>}, {transform_indices = @transform_1, window_bounds = array<i64: 1600, 1>}, {pipeline_mode = #tpu.pipeline_mode<synchronous>, transform_indices = @transform_2, window_bounds = array<i64: 16, 128>}, {pipeline_mode = #tpu.pipeline_mode<synchronous>, transform_indices = @transform_3, window_bounds = array<i64: 16, 128>}, {pipeline_mode = #tpu.pipeline_mode<synchronous>, transform_indices = @transform_4, window_bounds = array<i64: 16, 128>}, {pipeline_mode = #tpu.pipeline_mode<synchronous>, transform_indices = @transform_5, window_bounds = array<i64: 16, 128>}, {pipeline_mode = #tpu.pipeline_mode<synchronous>, transform_indices = @transform_6, window_bounds = array<i64: 16, 128>}, {transform_indices = @transform_7, window_bounds = array<i64: 1600, 128>}]} {
    %get3A = arith.constant 0 : index
    %get3A_0 = arith.constant 0 : index
    %get3A_1 = vector.load %arg5[%get3A, %get3A_0] : memref<16x128xf32, #tpu.memory_space<vmem>>, vector<16x128xf32>
    %max3A = arith.constant 1.000000e+00 : f32
    %max3A_2 = vector.broadcast %max3A : f32 to vector<16x128xf32>
    %max3A_3 = arith.maximumf %get3A_1, %max3A_2 : vector<16x128xf32>
    %get3A_4 = arith.constant 0 : index
    %get3A_5 = arith.constant 0 : index
    %get3A_6 = vector.load %arg3[%get3A_4, %get3A_5] : memref<16x128xf32, #tpu.memory_space<vmem>>, vector<16x128xf32>
    %div3A = arith.divf %get3A_6, %max3A_3 : vector<16x128xf32>
    %get3A_7 = arith.constant 0 : index
    %get3A_8 = arith.constant 0 : index
    %get3A_9 = vector.load %arg4[%get3A_7, %get3A_8] : memref<16x128xf32, #tpu.memory_space<vmem>>, vector<16x128xf32>
    %div3A_10 = arith.divf %get3A_9, %max3A_3 : vector<16x128xf32>
    %mul3A = arith.mulf %div3A, %div3A : vector<16x128xf32>
    %sub3A = arith.subf %div3A_10, %mul3A : vector<16x128xf32>
    %max3A_11 = arith.constant 0.000000e+00 : f32
    %max3A_12 = vector.broadcast %max3A_11 : f32 to vector<16x128xf32>
    %max3A_13 = arith.maximumf %sub3A, %max3A_12 : vector<16x128xf32>
    %get3A_14 = arith.constant 0 : index
    %get3A_15 = arith.constant 0 : index
    %get3A_16 = vector.load %arg6[%get3A_14, %get3A_15] : memref<16x128xf32, #tpu.memory_space<vmem>>, vector<16x128xf32>
    %add3A = arith.constant 9.99999974E-6 : f32
    %add3A_17 = vector.broadcast %add3A : f32 to vector<16x128xf32>
    %add3A_18 = arith.addf %max3A_13, %add3A_17 : vector<16x128xf32>
    %rsqrt3A = math.rsqrt %add3A_18 : vector<16x128xf32>
    %mul3A_19 = arith.mulf %get3A_16, %rsqrt3A : vector<16x128xf32>
    %get3A_20 = arith.constant 0 : index
    %get3A_21 = arith.constant 0 : index
    %get3A_22 = vector.load %arg7[%get3A_20, %get3A_21] : memref<16x128xf32, #tpu.memory_space<vmem>>, vector<16x128xf32>
    %mul3A_23 = arith.mulf %div3A, %mul3A_19 : vector<16x128xf32>
    %sub3A_24 = arith.subf %get3A_22, %mul3A_23 : vector<16x128xf32>
    %get3A_25 = arith.constant 0 : index
    %get3A_26 = arith.constant 0 : index
    %get3A_27 = vector.load %arg2[%get3A_25, %get3A_26] : memref<1600x1xi32, #tpu.memory_space<vmem>>, vector<1600x1xi32>
    %iota3A = tpu.iota {dimensions = array<i32: 1>} : vector<1x16xi32>
    %eq3A = vector.broadcast %get3A_27 : vector<1600x1xi32> to vector<1600x16xi32>
    %eq3A_28 = vector.broadcast %iota3A : vector<1x16xi32> to vector<1600x16xi32>
    %eq3A_29 = arith.cmpi eq, %eq3A, %eq3A_28 : vector<1600x16xi32>
    %convert_element_type3A = arith.extui %eq3A_29 : vector<1600x16xi1> to vector<1600x16xi32>
    %convert_element_type3A_30 = arith.sitofp %convert_element_type3A : vector<1600x16xi32> to vector<1600x16xf32>
    %convert_element_type3A_31 = arith.truncf %convert_element_type3A_30 : vector<1600x16xf32> to vector<1600x16xbf16>
    %convert_element_type3A_32 = arith.truncf %mul3A_19 : vector<16x128xf32> to vector<16x128xbf16>
    %dot_general3A = arith.constant dense<0.000000e+00> : vector<1600x128xf32>
    %dot_general3A_33 = tpu.matmul %convert_element_type3A_31, %convert_element_type3A_32, %dot_general3A {dimension_numbers = #tpu.dot_dimension_numbers<[1], [0], [0], [1], [0, 0, 1, 1], [], []>, transpose_lhs_hint = false} : vector<1600x16xbf16>, vector<16x128xbf16>, vector<1600x128xf32> -> vector<1600x128xf32>
    %convert_element_type3A_34 = arith.truncf %sub3A_24 : vector<16x128xf32> to vector<16x128xbf16>
    %dot_general3A_35 = arith.constant dense<0.000000e+00> : vector<1600x128xf32>
    %dot_general3A_36 = tpu.matmul %convert_element_type3A_31, %convert_element_type3A_34, %dot_general3A_35 {dimension_numbers = #tpu.dot_dimension_numbers<[1], [0], [0], [1], [0, 0, 1, 1], [], []>, transpose_lhs_hint = false} : vector<1600x16xbf16>, vector<16x128xbf16>, vector<1600x128xf32> -> vector<1600x128xf32>
    %get3A_37 = arith.constant 0 : index
    %get3A_38 = arith.constant 0 : index
    %get3A_39 = vector.load %arg1[%get3A_37, %get3A_38] : memref<1600x128xbf16, #tpu.memory_space<vmem>>, vector<1600x128xbf16>
    %convert_element_type3A_40 = arith.extf %get3A_39 : vector<1600x128xbf16> to vector<1600x128xf32>
    %mul3A_41 = arith.mulf %convert_element_type3A_40, %dot_general3A_33 : vector<1600x128xf32>
    %add3A_42 = arith.addf %mul3A_41, %dot_general3A_36 : vector<1600x128xf32>
    %max3A_43 = arith.constant 0.000000e+00 : f32
    %max3A_44 = vector.broadcast %max3A_43 : f32 to vector<1600x128xf32>
    %max3A_45 = arith.maximumf %add3A_42, %max3A_44 : vector<1600x128xf32>
    %swap3A = arith.constant 0 : index
    %swap3A_46 = arith.constant 0 : index
    %swap3A_47 = vector.load %arg8[%swap3A, %swap3A_46] : memref<1600x128xf32, #tpu.memory_space<vmem>>, vector<1600x128xf32>
    tpu.vector_store %arg8[%swap3A, %swap3A_46], %max3A_45 {strides = array<i32>} : memref<1600x128xf32, #tpu.memory_space<vmem>>, vector<1600x128xf32>,
    return
  }
  func.func @transform_0(%arg0: i32) -> (i32, i32) {
    %c0_i32 = arith.constant 0 : i32
    %c0_i32_0 = arith.constant 0 : i32
    return %arg0, %c0_i32 : i32, i32
  }
  func.func @transform_1(%arg0: i32) -> (i32, i32) {
    %c0_i32 = arith.constant 0 : i32
    %c0_i32_0 = arith.constant 0 : i32
    return %arg0, %c0_i32 : i32, i32
  }
  func.func @transform_2(%arg0: i32) -> (i32, i32) {
    %c0_i32 = arith.constant 0 : i32
    %c0_i32_0 = arith.constant 0 : i32
    %c0_i32_1 = arith.constant 0 : i32
    return %c0_i32, %c0_i32_0 : i32, i32
  }
  func.func @transform_3(%arg0: i32) -> (i32, i32) {
    %c0_i32 = arith.constant 0 : i32
    %c0_i32_0 = arith.constant 0 : i32
    %c0_i32_1 = arith.constant 0 : i32
    return %c0_i32, %c0_i32_0 : i32, i32
  }
  func.func @transform_4(%arg0: i32) -> (i32, i32) {
    %c0_i32 = arith.constant 0 : i32
    %c0_i32_0 = arith.constant 0 : i32
    %c0_i32_1 = arith.constant 0 : i32
    return %c0_i32, %c0_i32_0 : i32, i32
  }
  func.func @transform_5(%arg0: i32) -> (i32, i32) {
    %c0_i32 = arith.constant 0 : i32
    %c0_i32_0 = arith.constant 0 : i32
    %c0_i32_1 = arith.constant 0 : i32
    return %c0_i32, %c0_i32_0 : i32, i32
  }
  func.func @transform_6(%arg0: i32) -> (i32, i32) {
    %c0_i32 = arith.constant 0 : i32
    %c0_i32_0 = arith.constant 0 : i32
    %c0_i32_1 = arith.constant 0 : i32
    return %c0_i32, %c0_i32_0 : i32, i32
  }
  func.func @transform_7(%arg0: i32) -> (i32, i32) {
    %c0_i32 = arith.constant 0 : i32
    %c0_i32_0 = arith.constant 0 : i32
    return %arg0, %c0_i32 : i32, i32
  }
}

module attributes {stable_mosaic.version = 14 : i64} {
  func.func @_k1(%arg0: i32, %arg1: memref<1600x128xf32, #tpu.memory_space<vmem>>, %arg2: memref<1600x1xi32, #tpu.memory_space<vmem>>, %arg3: memref<128x2048xbf16, #tpu.memory_space<vmem>>, %arg4: memref<1600x128xbf16, #tpu.memory_space<vmem>>, %arg5: memref<16x128xf32, #tpu.memory_space<vmem>>, %arg6: memref<16x128xf32, #tpu.memory_space<vmem>>, %arg7: memref<16x128xf32, #tpu.memory_space<vmem>>) attributes {dimension_semantics = [#tpu.dimension_semantics<arbitrary>], iteration_bounds = array<i64: 100>, scalar_prefetch = 0 : i64, scratch_operands = 0 : i64, tpu.core_type = #tpu.core_type<tc>, window_params = [{transform_indices = @transform_0, window_bounds = array<i64: 1600, 128>}, {transform_indices = @transform_1, window_bounds = array<i64: 1600, 1>}, {pipeline_mode = #tpu.pipeline_mode<synchronous>, transform_indices = @transform_2, window_bounds = array<i64: 128, 2048>}, {transform_indices = @transform_3, window_bounds = array<i64: 1600, 128>}, {pipeline_mode = #tpu.pipeline_mode<synchronous>, transform_indices = @transform_4, window_bounds = array<i64: 16, 128>}, {pipeline_mode = #tpu.pipeline_mode<synchronous>, transform_indices = @transform_5, window_bounds = array<i64: 16, 128>}, {pipeline_mode = #tpu.pipeline_mode<synchronous>, transform_indices = @transform_6, window_bounds = array<i64: 16, 128>}]} {
    %get3A = arith.constant 0 : index
    %get3A_0 = arith.constant 0 : index
    %get3A_1 = vector.load %arg1[%get3A, %get3A_0] : memref<1600x128xf32, #tpu.memory_space<vmem>>, vector<1600x128xf32>
    %get3A_2 = arith.constant 0 : index
    %get3A_3 = arith.constant 0 : index
    %get3A_4 = vector.load %arg2[%get3A_2, %get3A_3] : memref<1600x1xi32, #tpu.memory_space<vmem>>, vector<1600x1xi32>
    %convert_element_type3A = arith.truncf %get3A_1 : vector<1600x128xf32> to vector<1600x128xbf16>
    %get3A_5 = arith.constant 0 : index
    %get3A_6 = arith.constant 0 : index
    %get3A_7 = vector.load %arg3[%get3A_5, %get3A_6] : memref<128x2048xbf16, #tpu.memory_space<vmem>>, vector<128x2048xbf16>
    %dot_general3A = arith.constant dense<0.000000e+00> : vector<1600x2048xf32>
    %dot_general3A_8 = tpu.matmul %convert_element_type3A, %get3A_7, %dot_general3A {dimension_numbers = #tpu.dot_dimension_numbers<[1], [0], [0], [1], [0, 0, 1, 1], [], []>, transpose_lhs_hint = false} : vector<1600x128xbf16>, vector<128x2048xbf16>, vector<1600x2048xf32> -> vector<1600x2048xf32>
    %convert_element_type3A_9 = arith.truncf %dot_general3A_8 : vector<1600x2048xf32> to vector<1600x2048xbf16>
    %broadcast_in_dim3A = vector.shape_cast %get3A_4 : vector<1600x1xi32> to vector<1600x1xi32>
    %broadcast_in_dim3A_10 = vector.broadcast %broadcast_in_dim3A : vector<1600x1xi32> to vector<1600x128xi32>
    %convert_element_type3A_11 = arith.sitofp %broadcast_in_dim3A_10 : vector<1600x128xi32> to vector<1600x128xbf16>
    %slice3A = vector.extract_strided_slice %convert_element_type3A_9 {offsets = [0, 0], sizes = [1600, 128], strides = [1, 1]} : vector<1600x2048xbf16> to vector<1600x128xbf16>
    %eq3A = arith.constant 1.000000e+00 : bf16
    %eq3A_12 = vector.broadcast %eq3A : bf16 to vector<1600x128xbf16>
    %eq3A_13 = arith.cmpf oeq, %convert_element_type3A_11, %eq3A_12 : vector<1600x128xbf16>
    %slice3A_14 = vector.extract_strided_slice %convert_element_type3A_9 {offsets = [0, 128], sizes = [1600, 128], strides = [1, 1]} : vector<1600x2048xbf16> to vector<1600x128xbf16>
    %select_n3A = arith.select %eq3A_13, %slice3A_14, %slice3A : vector<1600x128xi1>, vector<1600x128xbf16>
    %eq3A_15 = arith.constant 2.000000e+00 : bf16
    %eq3A_16 = vector.broadcast %eq3A_15 : bf16 to vector<1600x128xbf16>
    %eq3A_17 = arith.cmpf oeq, %convert_element_type3A_11, %eq3A_16 : vector<1600x128xbf16>
    %slice3A_18 = vector.extract_strided_slice %convert_element_type3A_9 {offsets = [0, 256], sizes = [1600, 128], strides = [1, 1]} : vector<1600x2048xbf16> to vector<1600x128xbf16>
    %select_n3A_19 = arith.select %eq3A_17, %slice3A_18, %select_n3A : vector<1600x128xi1>, vector<1600x128xbf16>
    %eq3A_20 = arith.constant 3.000000e+00 : bf16
    %eq3A_21 = vector.broadcast %eq3A_20 : bf16 to vector<1600x128xbf16>
    %eq3A_22 = arith.cmpf oeq, %convert_element_type3A_11, %eq3A_21 : vector<1600x128xbf16>
    %slice3A_23 = vector.extract_strided_slice %convert_element_type3A_9 {offsets = [0, 384], sizes = [1600, 128], strides = [1, 1]} : vector<1600x2048xbf16> to vector<1600x128xbf16>
    %select_n3A_24 = arith.select %eq3A_22, %slice3A_23, %select_n3A_19 : vector<1600x128xi1>, vector<1600x128xbf16>
    %eq3A_25 = arith.constant 4.000000e+00 : bf16
    %eq3A_26 = vector.broadcast %eq3A_25 : bf16 to vector<1600x128xbf16>
    %eq3A_27 = arith.cmpf oeq, %convert_element_type3A_11, %eq3A_26 : vector<1600x128xbf16>
    %slice3A_28 = vector.extract_strided_slice %convert_element_type3A_9 {offsets = [0, 512], sizes = [1600, 128], strides = [1, 1]} : vector<1600x2048xbf16> to vector<1600x128xbf16>
    %select_n3A_29 = arith.select %eq3A_27, %slice3A_28, %select_n3A_24 : vector<1600x128xi1>, vector<1600x128xbf16>
    %eq3A_30 = arith.constant 5.000000e+00 : bf16
    %eq3A_31 = vector.broadcast %eq3A_30 : bf16 to vector<1600x128xbf16>
    %eq3A_32 = arith.cmpf oeq, %convert_element_type3A_11, %eq3A_31 : vector<1600x128xbf16>
    %slice3A_33 = vector.extract_strided_slice %convert_element_type3A_9 {offsets = [0, 640], sizes = [1600, 128], strides = [1, 1]} : vector<1600x2048xbf16> to vector<1600x128xbf16>
    %select_n3A_34 = arith.select %eq3A_32, %slice3A_33, %select_n3A_29 : vector<1600x128xi1>, vector<1600x128xbf16>
    %eq3A_35 = arith.constant 6.000000e+00 : bf16
    %eq3A_36 = vector.broadcast %eq3A_35 : bf16 to vector<1600x128xbf16>
    %eq3A_37 = arith.cmpf oeq, %convert_element_type3A_11, %eq3A_36 : vector<1600x128xbf16>
    %slice3A_38 = vector.extract_strided_slice %convert_element_type3A_9 {offsets = [0, 768], sizes = [1600, 128], strides = [1, 1]} : vector<1600x2048xbf16> to vector<1600x128xbf16>
    %select_n3A_39 = arith.select %eq3A_37, %slice3A_38, %select_n3A_34 : vector<1600x128xi1>, vector<1600x128xbf16>
    %eq3A_40 = arith.constant 7.000000e+00 : bf16
    %eq3A_41 = vector.broadcast %eq3A_40 : bf16 to vector<1600x128xbf16>
    %eq3A_42 = arith.cmpf oeq, %convert_element_type3A_11, %eq3A_41 : vector<1600x128xbf16>
    %slice3A_43 = vector.extract_strided_slice %convert_element_type3A_9 {offsets = [0, 896], sizes = [1600, 128], strides = [1, 1]} : vector<1600x2048xbf16> to vector<1600x128xbf16>
    %select_n3A_44 = arith.select %eq3A_42, %slice3A_43, %select_n3A_39 : vector<1600x128xi1>, vector<1600x128xbf16>
    %eq3A_45 = arith.constant 8.000000e+00 : bf16
    %eq3A_46 = vector.broadcast %eq3A_45 : bf16 to vector<1600x128xbf16>
    %eq3A_47 = arith.cmpf oeq, %convert_element_type3A_11, %eq3A_46 : vector<1600x128xbf16>
    %slice3A_48 = vector.extract_strided_slice %convert_element_type3A_9 {offsets = [0, 1024], sizes = [1600, 128], strides = [1, 1]} : vector<1600x2048xbf16> to vector<1600x128xbf16>
    %select_n3A_49 = arith.select %eq3A_47, %slice3A_48, %select_n3A_44 : vector<1600x128xi1>, vector<1600x128xbf16>
    %eq3A_50 = arith.constant 9.000000e+00 : bf16
    %eq3A_51 = vector.broadcast %eq3A_50 : bf16 to vector<1600x128xbf16>
    %eq3A_52 = arith.cmpf oeq, %convert_element_type3A_11, %eq3A_51 : vector<1600x128xbf16>
    %slice3A_53 = vector.extract_strided_slice %convert_element_type3A_9 {offsets = [0, 1152], sizes = [1600, 128], strides = [1, 1]} : vector<1600x2048xbf16> to vector<1600x128xbf16>
    %select_n3A_54 = arith.select %eq3A_52, %slice3A_53, %select_n3A_49 : vector<1600x128xi1>, vector<1600x128xbf16>
    %eq3A_55 = arith.constant 1.000000e+01 : bf16
    %eq3A_56 = vector.broadcast %eq3A_55 : bf16 to vector<1600x128xbf16>
    %eq3A_57 = arith.cmpf oeq, %convert_element_type3A_11, %eq3A_56 : vector<1600x128xbf16>
    %slice3A_58 = vector.extract_strided_slice %convert_element_type3A_9 {offsets = [0, 1280], sizes = [1600, 128], strides = [1, 1]} : vector<1600x2048xbf16> to vector<1600x128xbf16>
    %select_n3A_59 = arith.select %eq3A_57, %slice3A_58, %select_n3A_54 : vector<1600x128xi1>, vector<1600x128xbf16>
    %eq3A_60 = arith.constant 1.100000e+01 : bf16
    %eq3A_61 = vector.broadcast %eq3A_60 : bf16 to vector<1600x128xbf16>
    %eq3A_62 = arith.cmpf oeq, %convert_element_type3A_11, %eq3A_61 : vector<1600x128xbf16>
    %slice3A_63 = vector.extract_strided_slice %convert_element_type3A_9 {offsets = [0, 1408], sizes = [1600, 128], strides = [1, 1]} : vector<1600x2048xbf16> to vector<1600x128xbf16>
    %select_n3A_64 = arith.select %eq3A_62, %slice3A_63, %select_n3A_59 : vector<1600x128xi1>, vector<1600x128xbf16>
    %eq3A_65 = arith.constant 1.200000e+01 : bf16
    %eq3A_66 = vector.broadcast %eq3A_65 : bf16 to vector<1600x128xbf16>
    %eq3A_67 = arith.cmpf oeq, %convert_element_type3A_11, %eq3A_66 : vector<1600x128xbf16>
    %slice3A_68 = vector.extract_strided_slice %convert_element_type3A_9 {offsets = [0, 1536], sizes = [1600, 128], strides = [1, 1]} : vector<1600x2048xbf16> to vector<1600x128xbf16>
    %select_n3A_69 = arith.select %eq3A_67, %slice3A_68, %select_n3A_64 : vector<1600x128xi1>, vector<1600x128xbf16>
    %eq3A_70 = arith.constant 1.300000e+01 : bf16
    %eq3A_71 = vector.broadcast %eq3A_70 : bf16 to vector<1600x128xbf16>
    %eq3A_72 = arith.cmpf oeq, %convert_element_type3A_11, %eq3A_71 : vector<1600x128xbf16>
    %slice3A_73 = vector.extract_strided_slice %convert_element_type3A_9 {offsets = [0, 1664], sizes = [1600, 128], strides = [1, 1]} : vector<1600x2048xbf16> to vector<1600x128xbf16>
    %select_n3A_74 = arith.select %eq3A_72, %slice3A_73, %select_n3A_69 : vector<1600x128xi1>, vector<1600x128xbf16>
    %eq3A_75 = arith.constant 1.400000e+01 : bf16
    %eq3A_76 = vector.broadcast %eq3A_75 : bf16 to vector<1600x128xbf16>
    %eq3A_77 = arith.cmpf oeq, %convert_element_type3A_11, %eq3A_76 : vector<1600x128xbf16>
    %slice3A_78 = vector.extract_strided_slice %convert_element_type3A_9 {offsets = [0, 1792], sizes = [1600, 128], strides = [1, 1]} : vector<1600x2048xbf16> to vector<1600x128xbf16>
    %select_n3A_79 = arith.select %eq3A_77, %slice3A_78, %select_n3A_74 : vector<1600x128xi1>, vector<1600x128xbf16>
    %eq3A_80 = arith.constant 1.500000e+01 : bf16
    %eq3A_81 = vector.broadcast %eq3A_80 : bf16 to vector<1600x128xbf16>
    %eq3A_82 = arith.cmpf oeq, %convert_element_type3A_11, %eq3A_81 : vector<1600x128xbf16>
    %slice3A_83 = vector.extract_strided_slice %convert_element_type3A_9 {offsets = [0, 1920], sizes = [1600, 128], strides = [1, 1]} : vector<1600x2048xbf16> to vector<1600x128xbf16>
    %select_n3A_84 = arith.select %eq3A_82, %slice3A_83, %select_n3A_79 : vector<1600x128xi1>, vector<1600x128xbf16>
    %swap3A = arith.constant 0 : index
    %swap3A_85 = arith.constant 0 : index
    %swap3A_86 = vector.load %arg4[%swap3A, %swap3A_85] : memref<1600x128xbf16, #tpu.memory_space<vmem>>, vector<1600x128xbf16>
    tpu.vector_store %arg4[%swap3A, %swap3A_85], %select_n3A_84 {strides = array<i32>} : memref<1600x128xbf16, #tpu.memory_space<vmem>>, vector<1600x128xbf16>,
    %iota3A = tpu.iota {dimensions = array<i32: 1>} : vector<1x16xi32>
    %eq3A_87 = vector.broadcast %get3A_4 : vector<1600x1xi32> to vector<1600x16xi32>
    %eq3A_88 = vector.broadcast %iota3A : vector<1x16xi32> to vector<1600x16xi32>
    %eq3A_89 = arith.cmpi eq, %eq3A_87, %eq3A_88 : vector<1600x16xi32>
    %convert_element_type3A_90 = arith.extui %eq3A_89 : vector<1600x16xi1> to vector<1600x16xi32>
    %convert_element_type3A_91 = arith.sitofp %convert_element_type3A_90 : vector<1600x16xi32> to vector<1600x16xf32>
    %convert_element_type3A_92 = arith.truncf %convert_element_type3A_91 : vector<1600x16xf32> to vector<1600x16xbf16>
    %dot_general3A_93 = arith.constant dense<0.000000e+00> : vector<16x128xf32>
    %dot_general3A_94 = tpu.matmul %convert_element_type3A_92, %select_n3A_84, %dot_general3A_93 {dimension_numbers = #tpu.dot_dimension_numbers<[0], [0], [1], [1], [0, 1, 1, 1], [], []>, transpose_lhs_hint = false} : vector<1600x16xbf16>, vector<1600x128xbf16>, vector<16x128xf32> -> vector<16x128xf32>
    %mul3A = arith.mulf %select_n3A_84, %select_n3A_84 : vector<1600x128xbf16>
    %dot_general3A_95 = arith.constant dense<0.000000e+00> : vector<16x128xf32>
    %dot_general3A_96 = tpu.matmul %convert_element_type3A_92, %mul3A, %dot_general3A_95 {dimension_numbers = #tpu.dot_dimension_numbers<[0], [0], [1], [1], [0, 1, 1, 1], [], []>, transpose_lhs_hint = false} : vector<1600x16xbf16>, vector<1600x128xbf16>, vector<16x128xf32> -> vector<16x128xf32>
    %broadcast_in_dim3A_97 = arith.constant 1.000000e+00 : bf16
    %broadcast_in_dim3A_98 = vector.broadcast %broadcast_in_dim3A_97 : bf16 to vector<1600x128xbf16>
    %dot_general3A_99 = arith.constant dense<0.000000e+00> : vector<16x128xf32>
    %dot_general3A_100 = tpu.matmul %convert_element_type3A_92, %broadcast_in_dim3A_98, %dot_general3A_99 {dimension_numbers = #tpu.dot_dimension_numbers<[0], [0], [1], [1], [0, 1, 1, 1], [], []>, transpose_lhs_hint = false} : vector<1600x16xbf16>, vector<1600x128xbf16>, vector<16x128xf32> -> vector<16x128xf32>
    %eq3A_101 = arith.constant 0 : i32
    %eq3A_102 = arith.cmpi eq, %arg0, %eq3A_101 : i32
    %convert_element_type3A_103 = arith.extui %eq3A_102 : i1 to i32
    %cond3A = arith.constant 0 : i32
    %cond3A_104 = arith.cmpi ne, %convert_element_type3A_103, %cond3A : i32
    scf.if %cond3A_104 {
      %broadcast_in_dim3A_125 = arith.constant 0.000000e+00 : f32
      %broadcast_in_dim3A_126 = vector.broadcast %broadcast_in_dim3A_125 : f32 to vector<16x128xf32>
      %swap3A_127 = arith.constant 0 : index
      %swap3A_128 = arith.constant 0 : index
      %swap3A_129 = vector.load %arg5[%swap3A_127, %swap3A_128] : memref<16x128xf32, #tpu.memory_space<vmem>>, vector<16x128xf32>
      tpu.vector_store %arg5[%swap3A_127, %swap3A_128], %broadcast_in_dim3A_126 {strides = array<i32>} : memref<16x128xf32, #tpu.memory_space<vmem>>, vector<16x128xf32>,
      %broadcast_in_dim3A_130 = arith.constant 0.000000e+00 : f32
      %broadcast_in_dim3A_131 = vector.broadcast %broadcast_in_dim3A_130 : f32 to vector<16x128xf32>
      %swap3A_132 = arith.constant 0 : index
      %swap3A_133 = arith.constant 0 : index
      %swap3A_134 = vector.load %arg6[%swap3A_132, %swap3A_133] : memref<16x128xf32, #tpu.memory_space<vmem>>, vector<16x128xf32>
      tpu.vector_store %arg6[%swap3A_132, %swap3A_133], %broadcast_in_dim3A_131 {strides = array<i32>} : memref<16x128xf32, #tpu.memory_space<vmem>>, vector<16x128xf32>,
      %broadcast_in_dim3A_135 = arith.constant 0.000000e+00 : f32
      %broadcast_in_dim3A_136 = vector.broadcast %broadcast_in_dim3A_135 : f32 to vector<16x128xf32>
      %swap3A_137 = arith.constant 0 : index
      %swap3A_138 = arith.constant 0 : index
      %swap3A_139 = vector.load %arg7[%swap3A_137, %swap3A_138] : memref<16x128xf32, #tpu.memory_space<vmem>>, vector<16x128xf32>
      tpu.vector_store %arg7[%swap3A_137, %swap3A_138], %broadcast_in_dim3A_136 {strides = array<i32>} : memref<16x128xf32, #tpu.memory_space<vmem>>, vector<16x128xf32>,
    } else {
    }
    %get3A_105 = arith.constant 0 : index
    %get3A_106 = arith.constant 0 : index
    %get3A_107 = vector.load %arg5[%get3A_105, %get3A_106] : memref<16x128xf32, #tpu.memory_space<vmem>>, vector<16x128xf32>
    %add3A = arith.addf %get3A_107, %dot_general3A_94 : vector<16x128xf32>
    %swap3A_108 = arith.constant 0 : index
    %swap3A_109 = arith.constant 0 : index
    %swap3A_110 = vector.load %arg5[%swap3A_108, %swap3A_109] : memref<16x128xf32, #tpu.memory_space<vmem>>, vector<16x128xf32>
    tpu.vector_store %arg5[%swap3A_108, %swap3A_109], %add3A {strides = array<i32>} : memref<16x128xf32, #tpu.memory_space<vmem>>, vector<16x128xf32>,
    %get3A_111 = arith.constant 0 : index
    %get3A_112 = arith.constant 0 : index
    %get3A_113 = vector.load %arg6[%get3A_111, %get3A_112] : memref<16x128xf32, #tpu.memory_space<vmem>>, vector<16x128xf32>
    %add3A_114 = arith.addf %get3A_113, %dot_general3A_96 : vector<16x128xf32>
    %swap3A_115 = arith.constant 0 : index
    %swap3A_116 = arith.constant 0 : index
    %swap3A_117 = vector.load %arg6[%swap3A_115, %swap3A_116] : memref<16x128xf32, #tpu.memory_space<vmem>>, vector<16x128xf32>
    tpu.vector_store %arg6[%swap3A_115, %swap3A_116], %add3A_114 {strides = array<i32>} : memref<16x128xf32, #tpu.memory_space<vmem>>, vector<16x128xf32>,
    %get3A_118 = arith.constant 0 : index
    %get3A_119 = arith.constant 0 : index
    %get3A_120 = vector.load %arg7[%get3A_118, %get3A_119] : memref<16x128xf32, #tpu.memory_space<vmem>>, vector<16x128xf32>
    %add3A_121 = arith.addf %get3A_120, %dot_general3A_100 : vector<16x128xf32>
    %swap3A_122 = arith.constant 0 : index
    %swap3A_123 = arith.constant 0 : index
    %swap3A_124 = vector.load %arg7[%swap3A_122, %swap3A_123] : memref<16x128xf32, #tpu.memory_space<vmem>>, vector<16x128xf32>
    tpu.vector_store %arg7[%swap3A_122, %swap3A_123], %add3A_121 {strides = array<i32>} : memref<16x128xf32, #tpu.memory_space<vmem>>, vector<16x128xf32>,
    return
  }
  func.func @transform_0(%arg0: i32) -> (i32, i32) {
    %c0_i32 = arith.constant 0 : i32
    %c0_i32_0 = arith.constant 0 : i32
    return %arg0, %c0_i32 : i32, i32
  }
  func.func @transform_1(%arg0: i32) -> (i32, i32) {
    %c0_i32 = arith.constant 0 : i32
    %c0_i32_0 = arith.constant 0 : i32
    return %arg0, %c0_i32 : i32, i32
  }
  func.func @transform_2(%arg0: i32) -> (i32, i32) {
    %c0_i32 = arith.constant 0 : i32
    %c0_i32_0 = arith.constant 0 : i32
    %c0_i32_1 = arith.constant 0 : i32
    return %c0_i32, %c0_i32_0 : i32, i32
  }
  func.func @transform_3(%arg0: i32) -> (i32, i32) {
    %c0_i32 = arith.constant 0 : i32
    %c0_i32_0 = arith.constant 0 : i32
    return %arg0, %c0_i32 : i32, i32
  }
  func.func @transform_4(%arg0: i32) -> (i32, i32) {
    %c0_i32 = arith.constant 0 : i32
    %c0_i32_0 = arith.constant 0 : i32
    %c0_i32_1 = arith.constant 0 : i32
    return %c0_i32, %c0_i32_0 : i32, i32
  }
  func.func @transform_5(%arg0: i32) -> (i32, i32) {
    %c0_i32 = arith.constant 0 : i32
    %c0_i32_0 = arith.constant 0 : i32
    %c0_i32_1 = arith.constant 0 : i32
    return %c0_i32, %c0_i32_0 : i32, i32
  }
  func.func @transform_6(%arg0: i32) -> (i32, i32) {
    %c0_i32 = arith.constant 0 : i32
    %c0_i32_0 = arith.constant 0 : i32
    %c0_i32_1 = arith.constant 0 : i32
    return %c0_i32, %c0_i32_0 : i32, i32
  }
}

module attributes {stable_mosaic.version = 14 : i64} {
  func.func @_k4(%arg0: i32, %arg1: memref<2x1000x128xf32, #tpu.memory_space<vmem>>, %arg2: memref<2x1000x128xf32, #tpu.memory_space<vmem>>, %arg3: memref<1000x128xf32, #tpu.memory_space<vmem>>) attributes {dimension_semantics = [#tpu.dimension_semantics<arbitrary>], iteration_bounds = array<i64: 10>, scalar_prefetch = 0 : i64, scratch_operands = 0 : i64, tpu.core_type = #tpu.core_type<tc>, window_params = [{transform_indices = @transform_0, window_bounds = array<i64: 2, 1000, 128>}, {transform_indices = @transform_1, window_bounds = array<i64: 2, 1000, 128>}, {transform_indices = @transform_2, window_bounds = array<i64: 1000, 128>}]} {
    %get3A = arith.constant 0 : index
    %get3A_0 = arith.constant 0 : index
    %get3A_1 = arith.constant 0 : index
    %get3A_2 = vector.load %arg1[%get3A, %get3A_0, %get3A_1] : memref<2x1000x128xf32, #tpu.memory_space<vmem>>, vector<1x1000x128xf32>
    %get3A_3 = vector.shape_cast %get3A_2 : vector<1x1000x128xf32> to vector<1000x128xf32>
    %get3A_4 = arith.constant 1 : index
    %get3A_5 = arith.constant 0 : index
    %get3A_6 = arith.constant 0 : index
    %get3A_7 = vector.load %arg1[%get3A_4, %get3A_5, %get3A_6] : memref<2x1000x128xf32, #tpu.memory_space<vmem>>, vector<1x1000x128xf32>
    %get3A_8 = vector.shape_cast %get3A_7 : vector<1x1000x128xf32> to vector<1000x128xf32>
    %add3A = arith.addf %get3A_3, %get3A_8 : vector<1000x128xf32>
    %get3A_9 = arith.constant 0 : index
    %get3A_10 = arith.constant 0 : index
    %get3A_11 = arith.constant 0 : index
    %get3A_12 = vector.load %arg2[%get3A_9, %get3A_10, %get3A_11] : memref<2x1000x128xf32, #tpu.memory_space<vmem>>, vector<1x1000x1xf32>
    %get3A_13 = vector.shape_cast %get3A_12 : vector<1x1000x1xf32> to vector<1000x1xf32>
    %get3A_14 = arith.constant 1 : index
    %get3A_15 = arith.constant 0 : index
    %get3A_16 = arith.constant 0 : index
    %get3A_17 = vector.load %arg2[%get3A_14, %get3A_15, %get3A_16] : memref<2x1000x128xf32, #tpu.memory_space<vmem>>, vector<1x1000x1xf32>
    %get3A_18 = vector.shape_cast %get3A_17 : vector<1x1000x1xf32> to vector<1000x1xf32>
    %add3A_19 = arith.addf %get3A_13, %get3A_18 : vector<1000x1xf32>
    %max3A = arith.constant 1.000000e+00 : f32
    %max3A_20 = vector.broadcast %max3A : f32 to vector<1000x1xf32>
    %max3A_21 = arith.maximumf %add3A_19, %max3A_20 : vector<1000x1xf32>
    %div3A = vector.broadcast %max3A_21 : vector<1000x1xf32> to vector<1000x128xf32>
    %div3A_22 = arith.divf %add3A, %div3A : vector<1000x128xf32>
    %swap3A = arith.constant 0 : index
    %swap3A_23 = arith.constant 0 : index
    %swap3A_24 = vector.load %arg3[%swap3A, %swap3A_23] : memref<1000x128xf32, #tpu.memory_space<vmem>>, vector<1000x128xf32>
    tpu.vector_store %arg3[%swap3A, %swap3A_23], %div3A_22 {strides = array<i32>} : memref<1000x128xf32, #tpu.memory_space<vmem>>, vector<1000x128xf32>,
    return
  }
  func.func @transform_0(%arg0: i32) -> (i32, i32, i32) {
    %c0_i32 = arith.constant 0 : i32
    %c0_i32_0 = arith.constant 0 : i32
    %c0_i32_1 = arith.constant 0 : i32
    return %c0_i32, %arg0, %c0_i32_0 : i32, i32, i32
  }
  func.func @transform_1(%arg0: i32) -> (i32, i32, i32) {
    %c0_i32 = arith.constant 0 : i32
    %c0_i32_0 = arith.constant 0 : i32
    %c0_i32_1 = arith.constant 0 : i32
    return %c0_i32, %arg0, %c0_i32_0 : i32, i32, i32
  }
  func.func @transform_2(%arg0: i32) -> (i32, i32) {
    %c0_i32 = arith.constant 0 : i32
    %c0_i32_0 = arith.constant 0 : i32
    return %arg0, %c0_i32 : i32, i32
  }
}

</mosaic_0001>

<sc_bundles>
// kernel: kernel.10.cloned.1.call-start
scs
__scs_entry_jumppad:
0x0: {  	(pc) =	sbr.rel $0x88, $3  }
0x1: {  	(tag) =	ssettag $0x0;
	lr =	simm.s32 $0x1  }
0x2: {  	[smem:$0x3F9B] =	sst lr;
	_ =	strace $0xD0000000  }
0x3: {  	_ = 	snop  }
0x4: {  	_ = 	snop  }
0x5: {  	_ = 	snop  }
0x6: {  	_ = 	snop  }
0x7: {  	_ = 	snop  }
__scs_overlays_trampoline_lowered:
0x8: {  	[smem:$0x3FAA] =	sst s0  }
0x9: {  	[smem:$0x3FAB] =	sst s1  }
0xa: {  	[smem:$0x3FAC] =	sst s2  }
0xb: {  	[smem:$0x3FAD] =	sst s3  }
0xc: {  	[smem:$0x3FAE] =	sst s4  }
0xd: {  	[smem:$0x3FAF] =	sst s5  }
0xe: {  	[smem:$0x3FB0] =	sst s6  }
0xf: {  	[smem:$0x3FB1] =	sst s7  }
0x10: {  	[smem:$0x3FB2] =	sst s8  }
0x11: {  	[smem:$0x3FB3] =	sst s9;
	s0 =	simm.s32 @!p0 $0x0  }
0x12: {  	s1 =	sld [smem:$0x3F99];
	s0 =	simm.s32 @p0 $0x1  }
0x13: {  	[smem:$0x3FB4] =	sst s0;
	s0 =	simm.s32 @!p1 $0x0  }
0x14: {  	s2 =	sld [smem:$0x3F98];
	s0 =	simm.s32 @p1 $0x1  }
0x15: {  	[smem:$0x3FB5] =	sst s0;
	s0 =	simm.s32 @!p2 $0x0  }
0x16: {  	s3 =	sld [smem:$0x3FDB];
	s0 =	simm.s32 @p2 $0x1  }
0x17: {  	s4 =	simm.s32 $0x1BF5;
	[smem:$0x3FB7] =	sst s0  }
0x18: {  	s0 =	sld [smem:$0x3F9A];
	_ =	swait.ge [sflag:s4], $0x0  }
0x19: {  	s7 =	sld [smem:$0x3F9B]  }
0x1a: {  	s8 =	sadd.s32 $0xFFFFE003, lr  }
0x1b: {  	s9 =	sadd.s32 $0xFFFFFEF7, lr;
	s5 =	simm.s32 $0xFFFFFFFF;
	p2 =	slt.u32 s8, $0xFFFFF086  }
0x1c: {  	p1 =	slt.u32 s9, $0xF7A;
	s5 =	simm.s32 @!p2 $0x0  }
0x1d: {  	s5 =	simm.s32 @p1 $0x1;
	p0 =	seq.s32 s7, s2  }
0x1e: {  	s7 =	smul.u32 @!p0 $0xF7A, s2;
	p2 =	seq.s32 @!p0 s5, $0x0  }
0x1f: {  	s9 =	smul.u32 $0xF7A, s1;
	s8 =	simm.s32 @!p0 $0x1BF5;
	p2 =	por !p2, p0  }
0x20: {  	[sflag:s8] =	ssyncset.s32 @!p0 $0xFFFFF086;
	s6 =	sadd.s32 @!p0 s3, s7;
	s7 =	simm.s32 @!p0 $0x108  }
0x21: {  	s3 =	sadd.s32 s3, s9;
	s6 =	sadd.s32 @!p0 $0x88, s6;
	s7 =	simm.s32 @p2 $0x1082  }
0x22: {  	[simem:s7], [sflag:s8] =	dma.local @!p0 [hbm:s6], $0xF7A  }
0x23: {  	s9 =	sor.u32 $0xD0000000, s2;
	s6 =	simm.s32 $0x108;
	_ =	swait.ge @!p0 [sflag:s8], $0x0  }
0x24: {  	s3 =	sadd.s32 $0x88, s3;
	s6 =	simm.s32 @!p1 $0x1082;
	[sflag:s4] =	ssyncset.s32 $0xFFFFF086  }
0x25: {  	[simem:s6], [sflag:s4] =	dma.local [hbm:s3], $0xF7A  }
0x26: {  	[smem:$0x3F9B] =	sst s1;
	(tag) =	ssettag s2;
	_ =	strace s9  }
0x27: {  	s1 =	sld [smem:$0x3FAB]  }
0x28: {  	s2 =	sld [smem:$0x3FAC]  }
0x29: {  	s4 =	sld [smem:$0x3FAE]  }
0x2a: {  	p0 =	seq.s32 s5, $0x0;
	s5 =	sld [smem:$0x3FAF]  }
0x2b: {  	s6 =	sld [smem:$0x3FB0]  }
0x2c: {  	s7 =	sld [smem:$0x3FB1]  }
0x2d: {  	s3 =	simm.s32 $0x108;
	s8 =	sld [smem:$0x3FB2]  }
0x2e: {  	s3 =	simm.s32 @!p0 $0x1082;
	s9 =	sld [smem:$0x3FB3]  }
0x2f: {  	lr =	sadd.s32 s0, s3;
	s0 =	sld [smem:$0x3FAA]  }
0x30: {  	s3 =	sld [smem:$0x3FAD]  }
0x31: {  	[smem:$0x3FB6] =	sst s10  }
0x32: {  	s10 =	sld [smem:$0x3FB4];
	_ =	sdelay $0x3  }
0x33: {  	p0 =	seq.s32 s10, $0x1;
	s10 =	sld [smem:$0x3FB6];
	_ =	sdelay $0x3  }
0x34: {  	[smem:$0x3FB6] =	sst s10  }
0x35: {  	s10 =	sld [smem:$0x3FB5];
	_ =	sdelay $0x3  }
0x36: {  	p1 =	seq.s32 s10, $0x1;
	s10 =	sld [smem:$0x3FB6];
	_ =	sdelay $0x3  }
0x37: {  	[smem:$0x3FB6] =	sst s10  }
0x38: {  	s10 =	sld [smem:$0x3FB7]  }
0x39: {  	_ = 	snop;
	(pc) =	sbr.ind lr, $3  }
0x3a: {  	_ = 	snop  }
0x3b: {  	_ = 	snop  }
0x3c: {  	p2 =	seq.s32 s10, $0x1;
	s10 =	sld [smem:$0x3FB6]  }
0x3d: {  	_ =	shalt  }
0x3e: {  	_ =	shalt  }
0x3f: {  	_ =	shalt  }
0x40: {  	_ =	shalt  }
0x41: {  	_ =	shalt  }
0x42: {  	_ =	shalt  }
0x43: {  	_ =	shalt  }
0x44: {  	_ =	shalt  }
0x45: {  	_ =	shalt  }
0x46: {  	_ =	shalt  }
0x47: {  	_ =	shalt  }
0x48: {  	_ =	shalt  }
0x49: {  	_ =	shalt  }
0x4a: {  	_ =	shalt  }
0x4b: {  	_ =	shalt  }
0x4c: {  	_ =	shalt  }
0x4d: {  	_ =	shalt  }
0x4e: {  	_ =	shalt  }
0x4f: {  	_ =	shalt  }
0x50: {  	_ =	shalt  }
0x51: {  	_ =	shalt  }
0x52: {  	_ =	shalt  }
0x53: {  	_ =	shalt  }
0x54: {  	_ =	shalt  }
0x55: {  	_ =	shalt  }
0x56: {  	_ =	shalt  }
0x57: {  	_ =	shalt  }
0x58: {  	_ =	shalt  }
0x59: {  	_ =	shalt  }
0x5a: {  	_ =	shalt  }
0x5b: {  	_ =	shalt  }
0x5c: {  	_ =	shalt  }
0x5d: {  	_ =	shalt  }
0x5e: {  	_ =	shalt  }
0x5f: {  	_ =	shalt  }
0x60: {  	_ =	shalt  }
0x61: {  	_ =	shalt  }
0x62: {  	_ =	shalt  }
0x63: {  	_ =	shalt  }
0x64: {  	_ =	shalt  }
0x65: {  	_ =	shalt  }
0x66: {  	_ =	shalt  }
0x67: {  	_ =	shalt  }
0x68: {  	_ =	shalt  }
0x69: {  	_ =	shalt  }
0x6a: {  	_ =	shalt  }
0x6b: {  	_ =	shalt  }
0x6c: {  	_ =	shalt  }
0x6d: {  	_ =	shalt  }
0x6e: {  	_ =	shalt  }
0x6f: {  	_ =	shalt  }
0x70: {  	_ =	shalt  }
0x71: {  	_ =	shalt  }
0x72: {  	_ =	shalt  }
0x73: {  	_ =	shalt  }
0x74: {  	_ =	shalt  }
0x75: {  	_ =	shalt  }
0x76: {  	_ =	shalt  }
0x77: {  	_ =	shalt  }
0x78: {  	_ =	shalt  }
0x79: {  	_ =	shalt  }
0x7a: {  	_ =	shalt  }
0x7b: {  	_ =	shalt  }
0x7c: {  	_ =	shalt  }
0x7d: {  	_ =	shalt  }
0x7e: {  	_ =	shalt  }
0x7f: {  	_ =	shalt  }
0x80: {  	_ =	shalt  }
0x81: {  	_ =	shalt  }
0x82: {  	_ =	shalt  }
0x83: {  	_ =	shalt  }
0x84: {  	_ =	shalt  }
0x85: {  	_ =	shalt  }
0x86: {  	_ =	shalt  }
0x87: {  	_ =	shalt  }
.Lfunc_end0:
.L_simem_size_0:
called_computation.1_lowered:
.L_overlay_start_0:
0x88: {  	s2 =	sld [smem:$0x3FD9]  }
0x89: {  	s3 =	sld [smem:$0x3FFE];
	_ =	sdelay $0x1  }
0x8a: {  	s1 =	srdreg.scid  }
0x8b: {  	s0 =	sand.u32 $0x1, s1  }
0x8c: {  	s17 =	sshll.u32 s0, $0xA;
	s2 =	sadd.s32 s3, s2  }
0x8d: {  	s2 =	sadd.s32 s2, s17  }
0x8e: {  	[smem:$0x3FC2] =	sst s2  }
0x8f: {  	_ = 	snop  }
0x90: {  	s2 =	sld [smem:$0x3FC7];
	(tm) =	ssettm $0x1  }
0x91: {  	s18 =	sld [smem:$0x3FFB];
	_ =	sdelay $0x3  }
0x92: {  	_ =	strace s18  }
0x93: {  	s3 =	sld [smem:$0x3FFC];
	_ =	sdelay $0x3  }
0x94: {  	_ =	strace s3  }
0x95: {  	s3 =	sld [smem:$0x3FFD];
	_ =	sdelay $0x3  }
0x96: {  	_ =	strace s3  }
0x97: {  	_ =	strace $0x8FFFFFFF  }
0x98: {  	s19 =	sld [smem:$0x3FDB];
	_ =	sdelay $0x1  }
0x99: {  	s4 =	simm.s32 $_scs_section_size  }
0x9a: {  	s5 =	simm.s32 $_size__tile_overlayer_lowered;
	s6 =	simm.s32 $_tile_overlayer_lowered  }
0x9b: {  	s22 =	simm.s32 $0x1BFF;
	s21 =	sshll.u32 s6, $0x1;
	s3 =	sadd.s32 s4, s19  }
0x9c: {  	s7 =	simm.s32 $0x0;
	s20 =	sshll.u32 s5, $0x1;
	s5 =	sadd.s32 s21, s3  }
0x9d: {  	[timem:s7], [sflag:s22] =	dma.local [hbm:s5], s20  }
0x9e: {  	_ =	swait.ge [sflag:s22], s20  }
0x9f: {  	s4 =	ssub.s32 $0x0, s20;
	[sflag:s22] =	ssyncset.done $0x0  }
0xa0: {  	[sflag:s22] =	ssyncadd.s32 s4;
	_ =	sdelay $0x1  }
0xa1: {  	s23 =	simm.s32 $0x1B8B  }
0xa2: {  	_ =	swait.ge [sflag:s23], $0x1  }
0xa3: {  	[sflag:s23] =	ssyncset.done $0x0  }
0xa4: {  	s25 =	simm.s32 $0x1B8E;
	s24 =	sld [smem:$0x3FFE];
	[sflag:s23] =	ssyncadd.s32 $0xFFFFFFFF  }
0xa5: {  	s26 =	simm.s32 $execute0_lowered;
	[smem:$0x3FD2] =	sst s25  }
0xa6: {  	s5 =	sshll.u32 s26, $0x1;
	_ =	strace $0x80000046;
	[dreg:$0x1] =	wrdreg $0xFFFFFFFF  }
0xa7: {  	s28 =	simm.s32 $_size_execute0_lowered;
	s3 =	sadd.s32 s3, s5;
	[dreg:$0x0] =	wrdreg $0x0  }
0xa8: {  	s5 =	sshll.u32 s28, $0x1;
	[dreg:$0x2] =	wrdreg s3  }
0xa9: {  	[dreg:$0x3] =	wrdreg s5  }
0xaa: {  	[dreg:$0x4] =	wrdreg $0xC0  }
0xab: {  	_ =	task [dreg:s7], $0x5FFFF  }
0xac: {  	[dreg:$0x1] =	wrdreg $0xFFFFFFFF  }
0xad: {  	[dreg:$0x0] =	wrdreg $0x60  }
0xae: {  	[dreg:$0x2] =	wrdreg s24  }
0xaf: {  	[dreg:$0x3] =	wrdreg s2  }
0xb0: {  	[dreg:$0x4] =	wrdreg $0x0  }
0xb1: {  	[dreg:$0x5] =	wrdreg $0xA  }
0xb2: {  	_ =	task.clear_ibuf [dreg:s7], $0x6FFFF;
	_ =	strace $0x90000046  }
0xb3: {  	s29 =	simm.s32 $0xA;
	_ =	strace $0x80000048  }
0xb4: {  	_ =	swait.ge [sflag:s29], $0x1  }
0xb5: {  	[sflag:s29] =	ssyncadd.s32 $0xFFFFFFFF  }
0xb6: {  	_ =	strace $0x90000048  }
0xb7: {  	_ =	sfence  }
0xb8: {  	s30 =	sld [smem:$0x0];
	_ =	sdelay $0x2  }
0xb9: {  	s31 =	sshll.u32 s1, $0xD;
	s1 =	sshrl.u32 s1, $0x2  }
0xba: {  	s3 =	sand.u32 $0x4000, s31;
	s1 =	sadd.s32 s1, s30  }
0xbb: {  	s0 =	sor.u32 s3, s0;
	s1 =	sshll.u32 s1, $0x11  }
0xbc: {  	s0 =	sor.u32 s1, s0  }
0xbd: {  	s0 =	sadd.s32 $0x8F2B, s0  }
0xbe: {  	[sflag:s0] =	ssyncadd.remote.s32 $0x1  }
0xbf: {  	_ =	sfence.sel $0xFFFF  }
0xc0: {  	[dreg:$0x0] =	wrdreg $0xFFFFFFFF;
	(pc) =	sbr.abs _section_cstart, $3  }
0xc1: {  	[dreg:$0x1] =	wrdreg $0xFFFFFFFF  }
0xc2: {  	_ =	task.clear_ibuf [dreg:s7], $0x2FFFF;
	_ =	strace $0x9FFFFFFF  }
0xc3: {  	(tm) =	ssettm $0x7FFFFFFF  }
tec
execute0_lowered:
.L_overlay_start_1:
0x0: {  	(tag) =	ssettag $0x1  }
0x1: {  	s0 =	rddreg [dreg:$0x0]  }
0x2: {  	s2 =	rddreg [dreg:$0x1]  }
0x3: {  	s1 =	rddreg [dreg:$0x2]  }
0x4: {  	s3 =	simm.s32 $0x0;
	s4 =	srdreg.scid;
	s11 =	stileid.u32  }
0x5: {  	s18 =	simm.s32 $0x5;
	[smem:$0x7FF] =	sst s3;
	s14 =	smul.u32 $0x2800, s11  }
0x6: {  	s5 =	sand.u32 $0x1, s4;
	s13 =	sadd.s32 $0x3AAC00, s0;
	s20 =	smul.u32 $0x50000, s11  }
0x7: {  	s23 =	sshll.u32 s11, $0x6;
	s25 =	smul.u32 $0x27, s11;
	_ =	strace $0x80000047  }
0x8: {  	s4 =	sshll.u32 s5, $0x4;
	s6 =	smul.u32 $0x28000, s5;
	s7 =	ssub.s32 $0x2, s5  }
0x9: {  	s5 =	smul.u32 $0x270, s5;
	s4 =	sor.u32 s11, s4;
	s8 =	sadd.s32 s14, s0  }
0xa: {  	s9 =	sshrl.u32 s7, $0x1;
	s10 =	smul.u32 $0x27, s4;
	s0 =	sadd.s32 s6, s0  }
0xb: {  	s15 =	ssub.s32 s7, s9;
	s12 =	smin.u32 s4, $0x2;
	p0 =	slt.u32 s4, $0x2  }
0xc: {  	s4 =	simm.s32 $0x28;
	s6 =	sshrl.u32 s20, $0x2;
	s22 =	sadd.s32 $0x1400, s8  }
0xd: {  	s7 =	sor.u32 $0x1C05, s23;
	s5 =	sadd.s32 s25, s5;
	s4 =	simm.s32 @!p0 $0x27  }
0xe: {  	s6 =	sadd.s32 s6, s1;
	[dreg:$0x5] =	wrdreg s22;
	s5 =	sadd.s32 s12, s5  }
0xf: {  	s0 =	sadd.s32 $0x29400, s0;
	s21 =	sadd.s32 s12, s10;
	[dreg:$0x4] =	wrdreg s6  }
0x10: {  	s12 =	sadd.s32 $0xFFFFFFFF, s4;
	s31 =	sshll.u32 s5, $0x4;
	s5 =	sshll.u32 s5, $0xB  }
0x11: {  	s23 =	sadd.s32 s14, s0;
	s24 =	sshll.u32 s21, $0xB;
	s26 =	sshll.u32 s21, $0x4  }
0x12: {  	s16 =	sshll.u32 s21, $0x7;
	s5 =	sadd.s32 s5, s13;
	s28 =	sadd.s32 s13, s24  }
0x13: {  	s29 =	sadd.s32 s2, s26;
	s30 =	sadd.s32 $0x80, s16;
	s20 =	sadd.s32 $0x1800, s5  }
0x14: {  	s17 =	sadd.s32 $0x1000, s5;
	s24 =	simm.s32 $0x0;
	[dreg:$0x6] =	wrdreg s28  }
0x15: {  	[dreg:$0x7] =	wrdreg s29;
	s16 =	sshll.u32 s30, $0x4;
	s11 =	sshrl.u32 s30, $0x3  }
0x16: {  	s10 =	sadd.s32 s13, s16;
	s11 =	sadd.s32 s2, s11;
	s2 =	sadd.s32 s31, s2  }
0x17: {  	s13 =	smax.u32 s15, $0x1;
	s19 =	sadd.s32 $0x30, s2;
	s16 =	sadd.s32 $0x20, s2  }
.LBB2_1:
0x18: {  	s0 =	rddreg [dreg:$0x4]  }
0x19: {  	s9 =	rddreg [dreg:$0x5];
	s25 =	sshrl.u32 s0, $0x3  }
0x1a: {  	[spmem:s25], [sflag:s7] =	dma.local [hbm:s9], $0x2800  }
0x1b: {  	_ =	swait.ge [sflag:s18], $0x2800  }
0x1c: {  	[sflag:s18] =	ssyncset.done $0x0  }
0x1d: {  	[sflag:s18] =	ssyncadd.s32 $0xFFFFD800  }
0x1e: {  	[bflag:$0x0] =	sbarrier.arrive $0xFFFF  }
0x1f: {  	s2 =	simm.s32 $0x14000;
	s14 =	rddreg [dreg:$0x6]  }
0x20: {  	[tilespmem:s2], [sflag:$0x1] =	stream.linear.gather [hbm4b:s14+s3], $0x4000, $0x38;
	[tilespmem:$0x1C100] =	vst v63  }
0x21: {  	s21 =	simm.s32 $0x1C000;
	s15 =	rddreg [dreg:$0x7]  }
0x22: {  	[tilespmem:s21], [sflag:$0x3] =	stream.linear.gather [hbm4b:s15+s3], $0x80, $0x38;
	[tilespmem:$0x1C100] =	vst v63  }
0x23: {  	s22 =	simm.s32 $0x18000;
	p0 =	sle.u32 s4, $0x0  }
0x24: {  	[tilespmem:s22], [sflag:$0x2] =	stream.linear.gather [hbm4b:s10+s3], $0x4000, $0x38;
	[tilespmem:$0x1C100] =	vst v63  }
0x25: {  	s26 =	simm.s32 $0x1C080;
	s0 =	simm.s32 @!p0 $0x1  }
0x26: {  	[tilespmem:s26], [sflag:$0x4] =	stream.linear.gather [hbm4b:s11+s3], $0x80, $0x38;
	[tilespmem:$0x1C100] =	vst v63  }
0x27: {  	_ =	swait.ge @!p0 [sflag:s0], $0x4000  }
0x28: {  	[sflag:s0] =	ssyncset.done @!p0 $0x0  }
0x29: {  	s2 =	simm.s32 @!p0 $0x3;
	[sflag:s0] =	ssyncadd.s32 @!p0 $0xFFFFC000  }
0x2a: {  	_ =	swait.ge @!p0 [sflag:s2], $0x80  }
0x2b: {  	s5 =	simm.s32 @!p0 $0x5;
	s14 =	simm.s32 @!p0 $0x80;
	[sflag:s2] =	ssyncset.done @!p0 $0x0  }
0x2c: {  	s15 =	simm.s32 @!p0 $0x1C000;
	s0 =	simm.s32 @!p0 $0x14000;
	[sflag:s2] =	ssyncadd.s32 @!p0 $0xFFFFFF80  }
0x2d: {  	[spmem:s1] =	stream.indirect.scatter.add.f32 @!p0 [tilespmem:s0], [sflag:$0x5], $0x80, s15, s14, $0xb8;
	[tilespmem:$0x1C100] =	vst v63  }
0x2e: {  	p1 =	sle.u32 @!p0 s4, $0x2;
	_ =	swait.ge @!p0 [sflag:s5], $0x4000  }
0x2f: {  	p1 =	por p1, p0;
	[sflag:s5] =	ssyncset.done @!p0 $0x0  }
0x30: {  	s2 =	simm.s32 @!p1 $0x14000;
	s0 =	simm.s32 @!p1 $0x0;
	[sflag:s5] =	ssyncadd.s32 @!p0 $0xFFFFC000  }
0x31: {  	[tilespmem:s2], [sflag:$0x1] =	stream.linear.gather @!p1 [hbm4b:s17+s0], $0x4000, $0x38;
	[tilespmem:$0x1C100] =	vst v63  }
0x32: {  	p2 =	sle.u32 s12, $0x0;
	s2 =	simm.s32 @!p1 $0x1C000  }
0x33: {  	[tilespmem:s2], [sflag:$0x3] =	stream.linear.gather @!p1 [hbm4b:s16+s0], $0x80, $0x38;
	[tilespmem:$0x1C100] =	vst v63  }
0x34: {  	s28 =	simm.s32 $0x5;
	s30 =	sadd.s32 $0x1000, s17;
	s2 =	simm.s32 @!p2 $0x2  }
0x35: {  	s31 =	sadd.s32 $0x20, s16;
	s29 =	sadd.s32 $0x20, s19;
	_ =	swait.ge @!p2 [sflag:s2], $0x4000  }
0x36: {  	s22 =	simm.s32 @!p2 $0x5;
	s26 =	sadd.s32 $0x1000, s20;
	[sflag:s2] =	ssyncset.done @!p2 $0x0  }
0x37: {  	s14 =	simm.s32 @!p2 $0x80;
	s5 =	simm.s32 @!p2 $0x4;
	[sflag:s2] =	ssyncadd.s32 @!p2 $0xFFFFC000  }
0x38: {  	s15 =	simm.s32 @!p2 $0x1C080;
	p0 =	sle.u32 @!p2 s4, $0x3;
	_ =	swait.ge @!p2 [sflag:s5], $0x80  }
0x39: {  	p3 =	por p0, p2;
	p0 =	sle.u32 s4, $0x2;
	[sflag:s5] =	ssyncset.done @!p2 $0x0  }
0x3a: {  	s0 =	simm.s32 $0x7;
	s2 =	simm.s32 @!p2 $0x18000;
	[sflag:s5] =	ssyncadd.s32 @!p2 $0xFFFFFF80  }
0x3b: {  	[spmem:s1] =	stream.indirect.scatter.add.f32 @!p2 [tilespmem:s2], [sflag:$0x5], $0x80, s15, s14, $0xb8;
	[tilespmem:$0x1C100] =	vst v63  }
0x3c: {  	s5 =	simm.s32 @!p3 $0x0;
	s2 =	simm.s32 $0x2;
	_ =	swait.ge @!p2 [sflag:s22], $0x4000  }
0x3d: {  	s15 =	smov.u32 s20;
	s14 =	smov.u32 s19;
	[sflag:s22] =	ssyncset.done @!p2 $0x0  }
.LBB2_2:
0x3e: {  	[sflag:s22] =	ssyncadd.s32 @!p2 $0xFFFFC000;
	s22 =	simm.s32 @!p3 $0x18000  }
0x3f: {  	s6 =	simm.s32 @!p3 $0x1C080;
	s21 =	smov.u32 s28;
	s28 =	smov.u32 s0  }
0x40: {  	[tilespmem:s22], [sflag:$0x2] =	stream.linear.gather @!p3 [hbm4b:s15+s5], $0x4000, $0x38;
	[tilespmem:$0x1C100] =	vst v63  }
0x41: {  	s0 =	sadd.s32 $0x2, s0;
	s22 =	simm.s32 @!p0 $0x1;
	s15 =	smov.u32 s26  }
0x42: {  	[tilespmem:s6], [sflag:$0x4] =	stream.linear.gather @!p3 [hbm4b:s14+s5], $0x80, $0x38;
	[tilespmem:$0x1C100] =	vst v63  }
0x43: {  	p1 =	sne.s32 s0, $0x2B;
	s14 =	smov.u32 s29;
	_ =	swait.ge @!p0 [sflag:s22], $0x4000  }
0x44: {  	s5 =	simm.s32 @!p0 $0x3;
	[sflag:s22] =	ssyncset.done @!p0 $0x0  }
0x45: {  	[sflag:s22] =	ssyncadd.s32 @!p0 $0xFFFFC000  }
0x46: {  	s6 =	simm.s32 @!p0 $0x14000;
	s22 =	simm.s32 @!p0 $0x5;
	_ =	swait.ge @!p0 [sflag:s5], $0x80  }
0x47: {  	s8 =	simm.s32 @!p0 $0x80;
	s9 =	simm.s32 @!p0 $0x1C000;
	[sflag:s5] =	ssyncset.done @!p0 $0x0  }
0x48: {  	[sflag:s5] =	ssyncadd.s32 @!p0 $0xFFFFFF80;
	s5 =	sadd.s32 @!p0 $0xFFFFFFFF, s21  }
0x49: {  	[spmem:s1] =	stream.indirect.scatter.add.f32 @!p0 [tilespmem:s6], [sflag:$0x5], $0x80, s9, s8, $0xb8;
	[tilespmem:$0x1C100] =	vst v63  }
0x4a: {  	p2 =	sge.u32 @!p0 s5, s4;
	_ =	swait.ge @!p0 [sflag:s22], $0x4000  }
0x4b: {  	p3 =	por p2, p0;
	[sflag:s22] =	ssyncset.done @!p0 $0x0  }
0x4c: {  	s5 =	simm.s32 @!p3 $0x0;
	s6 =	simm.s32 @!p3 $0x14000;
	[sflag:s22] =	ssyncadd.s32 @!p0 $0xFFFFC000  }
0x4d: {  	[tilespmem:s6], [sflag:$0x1] =	stream.linear.gather @!p3 [hbm4b:s30+s5], $0x4000, $0x38;
	[tilespmem:$0x1C100] =	vst v63  }
0x4e: {  	p2 =	sge.u32 s2, s12;
	s6 =	simm.s32 @!p3 $0x1C000  }
0x4f: {  	[tilespmem:s6], [sflag:$0x3] =	stream.linear.gather @!p3 [hbm4b:s31+s5], $0x80, $0x38;
	[tilespmem:$0x1C100] =	vst v63  }
0x50: {  	s2 =	simm.s32 @!p2 $0x2  }
0x51: {  	s26 =	sadd.s32 $0x1000, s26;
	_ =	swait.ge @!p2 [sflag:s2], $0x4000  }
0x52: {  	s30 =	sadd.s32 $0x1000, s30;
	s5 =	simm.s32 @!p2 $0x4;
	[sflag:s2] =	ssyncset.done @!p2 $0x0  }
0x53: {  	s8 =	simm.s32 @!p2 $0x1C080;
	s31 =	sadd.s32 $0x20, s31;
	[sflag:s2] =	ssyncadd.s32 @!p2 $0xFFFFC000  }
0x54: {  	s22 =	simm.s32 @!p2 $0x5;
	s2 =	simm.s32 @!p2 $0x18000;
	_ =	swait.ge @!p2 [sflag:s5], $0x80  }
.Ltmp0:
0x55: {  	s6 =	simm.s32 @!p2 $0x80;
	[sflag:s5] =	ssyncset.done @!p2 $0x0;
	(pc) =	sbr.rel @p1 .LBB2_2-.Ltmp0, $4  }
0x56: {  	s29 =	sadd.s32 $0x20, s29;
	p0 =	sge.u32 @!p2 s21, s4;
	[sflag:s5] =	ssyncadd.s32 @!p2 $0xFFFFFF80  }
0x57: {  	[spmem:s1] =	stream.indirect.scatter.add.f32 @!p2 [tilespmem:s2], [sflag:$0x5], $0x80, s8, s6, $0xb8;
	[tilespmem:$0x1C100] =	vst v63  }
0x58: {  	p3 =	por p0, p2;
	s2 =	sadd.s32 $0xFFFFFFFD, s28;
	_ =	swait.ge @!p2 [sflag:s22], $0x4000  }
0x59: {  	s5 =	simm.s32 @!p3 $0x0;
	p0 =	sge.u32 s2, s4;
	[sflag:s22] =	ssyncset.done @!p2 $0x0  }
0x5a: {  	[sflag:s22] =	ssyncadd.s32 @!p2 $0xFFFFC000;
	s0 =	simm.s32 @!p3 $0x18000  }
0x5b: {  	[tilespmem:s0], [sflag:$0x2] =	stream.linear.gather @!p3 [hbm4b:s15+s5], $0x4000, $0x38;
	[tilespmem:$0x1C100] =	vst v63  }
0x5c: {  	s6 =	simm.s32 @!p0 $0x1;
	s0 =	simm.s32 @!p3 $0x1C080  }
0x5d: {  	[tilespmem:s0], [sflag:$0x4] =	stream.linear.gather @!p3 [hbm4b:s14+s5], $0x80, $0x38;
	[tilespmem:$0x1C100] =	vst v63  }
0x5e: {  	_ =	swait.ge @!p0 [sflag:s6], $0x4000  }
0x5f: {  	[sflag:s6] =	ssyncset.done @!p0 $0x0  }
0x60: {  	s0 =	simm.s32 @!p0 $0x3;
	[sflag:s6] =	ssyncadd.s32 @!p0 $0xFFFFC000  }
0x61: {  	s8 =	simm.s32 @!p0 $0x80;
	_ =	swait.ge @!p0 [sflag:s0], $0x80  }
0x62: {  	s9 =	simm.s32 @!p0 $0x1C000;
	s5 =	simm.s32 @!p0 $0x14000;
	[sflag:s0] =	ssyncset.done @!p0 $0x0  }
0x63: {  	s6 =	simm.s32 @!p0 $0x5;
	[sflag:s0] =	ssyncadd.s32 @!p0 $0xFFFFFF80;
	s0 =	sadd.s32 @!p0 $0xFFFFFFFF, s28  }
0x64: {  	[spmem:s1] =	stream.indirect.scatter.add.f32 @!p0 [tilespmem:s5], [sflag:$0x5], $0x80, s9, s8, $0xb8;
	[tilespmem:$0x1C100] =	vst v63  }
0x65: {  	p1 =	sge.u32 @!p0 s0, s4;
	_ =	swait.ge @!p0 [sflag:s6], $0x4000  }
0x66: {  	p1 =	por p1, p0;
	[sflag:s6] =	ssyncset.done @!p0 $0x0  }
0x67: {  	s0 =	simm.s32 @!p1 $0x0;
	s5 =	simm.s32 @!p1 $0x14000;
	[sflag:s6] =	ssyncadd.s32 @!p0 $0xFFFFC000  }
0x68: {  	[tilespmem:s5], [sflag:$0x1] =	stream.linear.gather @!p1 [hbm4b:s30+s0], $0x4000, $0x38;
	[tilespmem:$0x1C100] =	vst v63  }
0x69: {  	p0 =	sge.u32 s2, s12;
	s5 =	simm.s32 @!p1 $0x1C000  }
0x6a: {  	[tilespmem:s5], [sflag:$0x3] =	stream.linear.gather @!p1 [hbm4b:s31+s0], $0x80, $0x38;
	[tilespmem:$0x1C100] =	vst v63  }
0x6b: {  	s0 =	simm.s32 @!p0 $0x2  }
0x6c: {  	_ =	swait.ge @!p0 [sflag:s0], $0x4000  }
0x6d: {  	[sflag:s0] =	ssyncset.done @!p0 $0x0  }
0x6e: {  	s2 =	simm.s32 @!p0 $0x4;
	[sflag:s0] =	ssyncadd.s32 @!p0 $0xFFFFC000  }
0x6f: {  	_ =	swait.ge @!p0 [sflag:s2], $0x80  }
0x70: {  	s6 =	simm.s32 @!p0 $0x80;
	s8 =	simm.s32 @!p0 $0x1C080;
	[sflag:s2] =	ssyncset.done @!p0 $0x0  }
0x71: {  	s5 =	simm.s32 @!p0 $0x5;
	s0 =	simm.s32 @!p0 $0x18000;
	[sflag:s2] =	ssyncadd.s32 @!p0 $0xFFFFFF80  }
0x72: {  	[spmem:s1] =	stream.indirect.scatter.add.f32 @!p0 [tilespmem:s0], [sflag:$0x5], $0x80, s8, s6, $0xb8;
	[tilespmem:$0x1C100] =	vst v63  }
0x73: {  	p1 =	sge.u32 @!p0 s28, s4;
	_ =	swait.ge @!p0 [sflag:s5], $0x4000  }
0x74: {  	s24 =	sadd.s32 $0x1, s24;
	p1 =	por p1, p0;
	[sflag:s5] =	ssyncset.done @!p0 $0x0  }
0x75: {  	s2 =	simm.s32 @!p1 $0x18000;
	s0 =	simm.s32 @!p1 $0x0;
	[sflag:s5] =	ssyncadd.s32 @!p0 $0xFFFFC000  }
0x76: {  	[tilespmem:s2], [sflag:$0x2] =	stream.linear.gather @!p1 [hbm4b:s26+s0], $0x4000, $0x38;
	[tilespmem:$0x1C100] =	vst v63  }
0x77: {  	p0 =	sne.s32 s24, s13;
	s2 =	simm.s32 @!p1 $0x1C080  }
0x78: {  	[tilespmem:s2], [sflag:$0x4] =	stream.linear.gather @!p1 [hbm4b:s29+s0], $0x80, $0x38;
	[tilespmem:$0x1C100] =	vst v63  }
.Ltmp1:
0x79: {  	[bflag:$0x0] =	sbarrier.arrive $0xFFFF;
	(pc) =	sbr.rel @p0 .LBB2_1-.Ltmp1, $4  }
0x7a: {  	[hbm:s23], [sflag:s7] =	dma.local [spmem:s25], $0x2800  }
0x7b: {  	_ =	swait.ge [sflag:s18], $0x2800  }
0x7c: {  	[sflag:s18] =	ssyncset.done $0x0  }
0x7d: {  	[sflag:s18] =	ssyncadd.s32 $0xFFFFD800  }
0x7e: {  	_ =	sfence.sel $0x180000  }
0x7f: {  	[bflag:$0x0] =	sbarrier.arrive $0xFFFF  }
0x80: {  	_ =	strace $0x90000047  }
0x81: {  	s0 =	stileid.u32;
	[bflag:$0x2] =	sbarrier.arrive $0xFFFF  }
0x82: {  	p0 =	sne.s32 s0, $0x0;
	s0 =	rddreg [dreg:$0x3]  }
0x83: {  	s0 =	sadd.s32 @!p0 $0x100000, s0  }
0x84: {  	[sflag:s0] =	ssyncadd.tile.s32 @!p0 $0x1;
	_ =	shalt  }
.Lfunc_end2:
_tile_overlayer_lowered:
.L_overlay_start_2:
0x85: {  	(tag) =	ssettag $0x2  }
0x86: {  	s0 =	rddreg [dreg:$0x0];
	s2 =	stileid.u32  }
0x87: {  	s1 =	rddreg [dreg:$0x1];
	p0 =	sne.s32 s2, $0x0  }
0x88: {  	s3 =	rddreg [dreg:$0x2];
	[bflag:$0x3] =	sbarrier.arrive $0xFFFF;
	s2 =	simm.s32 @!p0 $0x1C05  }
0x89: {  	[timem:s3], [sflag:s2] =	dma.local @!p0 [hbm:s0], s1  }
0x8a: {  	s0 =	simm.s32 @!p0 $0x5  }
0x8b: {  	_ =	swait.ge @!p0 [sflag:s0], s1  }
0x8c: {  	s1 =	ssub.s32 @!p0 $0x0, s1;
	[sflag:s0] =	ssyncset.done @!p0 $0x0  }
0x8d: {  	[sflag:s0] =	ssyncadd.s32 @!p0 s1  }
0x8e: {  	[bflag:$0x3] =	sbarrier.arrive $0xFFFF  }
0x8f: {  	_ =	shalt  }

// kernel: kernel.7.cloned.1.call-start
scs
__scs_entry_jumppad:
0x0: {  	(pc) =	sbr.rel $0x88, $3  }
0x1: {  	(tag) =	ssettag $0x0;
	lr =	simm.s32 $0x1  }
0x2: {  	[smem:$0x3F9B] =	sst lr;
	_ =	strace $0xD0000000  }
0x3: {  	_ = 	snop  }
0x4: {  	_ = 	snop  }
0x5: {  	_ = 	snop  }
0x6: {  	_ = 	snop  }
0x7: {  	_ = 	snop  }
__scs_overlays_trampoline_lowered:
0x8: {  	[smem:$0x3FAA] =	sst s0  }
0x9: {  	[smem:$0x3FAB] =	sst s1  }
0xa: {  	[smem:$0x3FAC] =	sst s2  }
0xb: {  	[smem:$0x3FAD] =	sst s3  }
0xc: {  	[smem:$0x3FAE] =	sst s4  }
0xd: {  	[smem:$0x3FAF] =	sst s5  }
0xe: {  	[smem:$0x3FB0] =	sst s6  }
0xf: {  	[smem:$0x3FB1] =	sst s7  }
0x10: {  	[smem:$0x3FB2] =	sst s8  }
0x11: {  	[smem:$0x3FB3] =	sst s9;
	s0 =	simm.s32 @!p0 $0x0  }
0x12: {  	s1 =	sld [smem:$0x3F99];
	s0 =	simm.s32 @p0 $0x1  }
0x13: {  	[smem:$0x3FB4] =	sst s0;
	s0 =	simm.s32 @!p1 $0x0  }
0x14: {  	s2 =	sld [smem:$0x3F98];
	s0 =	simm.s32 @p1 $0x1  }
0x15: {  	[smem:$0x3FB5] =	sst s0;
	s0 =	simm.s32 @!p2 $0x0  }
0x16: {  	s3 =	sld [smem:$0x3FDB];
	s0 =	simm.s32 @p2 $0x1  }
0x17: {  	s4 =	simm.s32 $0x1BF5;
	[smem:$0x3FB7] =	sst s0  }
0x18: {  	s0 =	sld [smem:$0x3F9A];
	_ =	swait.ge [sflag:s4], $0x0  }
0x19: {  	s7 =	sld [smem:$0x3F9B]  }
0x1a: {  	s8 =	sadd.s32 $0xFFFFE003, lr  }
0x1b: {  	s9 =	sadd.s32 $0xFFFFFEF7, lr;
	s5 =	simm.s32 $0xFFFFFFFF;
	p2 =	slt.u32 s8, $0xFFFFF086  }
0x1c: {  	p1 =	slt.u32 s9, $0xF7A;
	s5 =	simm.s32 @!p2 $0x0  }
0x1d: {  	s5 =	simm.s32 @p1 $0x1;
	p0 =	seq.s32 s7, s2  }
0x1e: {  	s7 =	smul.u32 @!p0 $0xF7A, s2;
	p2 =	seq.s32 @!p0 s5, $0x0  }
0x1f: {  	s9 =	smul.u32 $0xF7A, s1;
	s8 =	simm.s32 @!p0 $0x1BF5;
	p2 =	por !p2, p0  }
0x20: {  	[sflag:s8] =	ssyncset.s32 @!p0 $0xFFFFF086;
	s6 =	sadd.s32 @!p0 s3, s7;
	s7 =	simm.s32 @!p0 $0x108  }
0x21: {  	s3 =	sadd.s32 s3, s9;
	s6 =	sadd.s32 @!p0 $0x88, s6;
	s7 =	simm.s32 @p2 $0x1082  }
0x22: {  	[simem:s7], [sflag:s8] =	dma.local @!p0 [hbm:s6], $0xF7A  }
0x23: {  	s9 =	sor.u32 $0xD0000000, s2;
	s6 =	simm.s32 $0x108;
	_ =	swait.ge @!p0 [sflag:s8], $0x0  }
0x24: {  	s3 =	sadd.s32 $0x88, s3;
	s6 =	simm.s32 @!p1 $0x1082;
	[sflag:s4] =	ssyncset.s32 $0xFFFFF086  }
0x25: {  	[simem:s6], [sflag:s4] =	dma.local [hbm:s3], $0xF7A  }
0x26: {  	[smem:$0x3F9B] =	sst s1;
	(tag) =	ssettag s2;
	_ =	strace s9  }
0x27: {  	s1 =	sld [smem:$0x3FAB]  }
0x28: {  	s2 =	sld [smem:$0x3FAC]  }
0x29: {  	s4 =	sld [smem:$0x3FAE]  }
0x2a: {  	p0 =	seq.s32 s5, $0x0;
	s5 =	sld [smem:$0x3FAF]  }
0x2b: {  	s6 =	sld [smem:$0x3FB0]  }
0x2c: {  	s7 =	sld [smem:$0x3FB1]  }
0x2d: {  	s3 =	simm.s32 $0x108;
	s8 =	sld [smem:$0x3FB2]  }
0x2e: {  	s3 =	simm.s32 @!p0 $0x1082;
	s9 =	sld [smem:$0x3FB3]  }
0x2f: {  	lr =	sadd.s32 s0, s3;
	s0 =	sld [smem:$0x3FAA]  }
0x30: {  	s3 =	sld [smem:$0x3FAD]  }
0x31: {  	[smem:$0x3FB6] =	sst s10  }
0x32: {  	s10 =	sld [smem:$0x3FB4];
	_ =	sdelay $0x3  }
0x33: {  	p0 =	seq.s32 s10, $0x1;
	s10 =	sld [smem:$0x3FB6];
	_ =	sdelay $0x3  }
0x34: {  	[smem:$0x3FB6] =	sst s10  }
0x35: {  	s10 =	sld [smem:$0x3FB5];
	_ =	sdelay $0x3  }
0x36: {  	p1 =	seq.s32 s10, $0x1;
	s10 =	sld [smem:$0x3FB6];
	_ =	sdelay $0x3  }
0x37: {  	[smem:$0x3FB6] =	sst s10  }
0x38: {  	s10 =	sld [smem:$0x3FB7]  }
0x39: {  	_ = 	snop;
	(pc) =	sbr.ind lr, $3  }
0x3a: {  	_ = 	snop  }
0x3b: {  	_ = 	snop  }
0x3c: {  	p2 =	seq.s32 s10, $0x1;
	s10 =	sld [smem:$0x3FB6]  }
0x3d: {  	_ =	shalt  }
0x3e: {  	_ =	shalt  }
0x3f: {  	_ =	shalt  }
0x40: {  	_ =	shalt  }
0x41: {  	_ =	shalt  }
0x42: {  	_ =	shalt  }
0x43: {  	_ =	shalt  }
0x44: {  	_ =	shalt  }
0x45: {  	_ =	shalt  }
0x46: {  	_ =	shalt  }
0x47: {  	_ =	shalt  }
0x48: {  	_ =	shalt  }
0x49: {  	_ =	shalt  }
0x4a: {  	_ =	shalt  }
0x4b: {  	_ =	shalt  }
0x4c: {  	_ =	shalt  }
0x4d: {  	_ =	shalt  }
0x4e: {  	_ =	shalt  }
0x4f: {  	_ =	shalt  }
0x50: {  	_ =	shalt  }
0x51: {  	_ =	shalt  }
0x52: {  	_ =	shalt  }
0x53: {  	_ =	shalt  }
0x54: {  	_ =	shalt  }
0x55: {  	_ =	shalt  }
0x56: {  	_ =	shalt  }
0x57: {  	_ =	shalt  }
0x58: {  	_ =	shalt  }
0x59: {  	_ =	shalt  }
0x5a: {  	_ =	shalt  }
0x5b: {  	_ =	shalt  }
0x5c: {  	_ =	shalt  }
0x5d: {  	_ =	shalt  }
0x5e: {  	_ =	shalt  }
0x5f: {  	_ =	shalt  }
0x60: {  	_ =	shalt  }
0x61: {  	_ =	shalt  }
0x62: {  	_ =	shalt  }
0x63: {  	_ =	shalt  }
0x64: {  	_ =	shalt  }
0x65: {  	_ =	shalt  }
0x66: {  	_ =	shalt  }
0x67: {  	_ =	shalt  }
0x68: {  	_ =	shalt  }
0x69: {  	_ =	shalt  }
0x6a: {  	_ =	shalt  }
0x6b: {  	_ =	shalt  }
0x6c: {  	_ =	shalt  }
0x6d: {  	_ =	shalt  }
0x6e: {  	_ =	shalt  }
0x6f: {  	_ =	shalt  }
0x70: {  	_ =	shalt  }
0x71: {  	_ =	shalt  }
0x72: {  	_ =	shalt  }
0x73: {  	_ =	shalt  }
0x74: {  	_ =	shalt  }
0x75: {  	_ =	shalt  }
0x76: {  	_ =	shalt  }
0x77: {  	_ =	shalt  }
0x78: {  	_ =	shalt  }
0x79: {  	_ =	shalt  }
0x7a: {  	_ =	shalt  }
0x7b: {  	_ =	shalt  }
0x7c: {  	_ =	shalt  }
0x7d: {  	_ =	shalt  }
0x7e: {  	_ =	shalt  }
0x7f: {  	_ =	shalt  }
0x80: {  	_ =	shalt  }
0x81: {  	_ =	shalt  }
0x82: {  	_ =	shalt  }
0x83: {  	_ =	shalt  }
0x84: {  	_ =	shalt  }
0x85: {  	_ =	shalt  }
0x86: {  	_ =	shalt  }
0x87: {  	_ =	shalt  }
.Lfunc_end0:
.L_simem_size_0:
called_computation_lowered:
.L_overlay_start_0:
0x88: {  	s2 =	sld [smem:$0x3FD9]  }
0x89: {  	s3 =	sld [smem:$0x3FFE];
	_ =	sdelay $0x1  }
0x8a: {  	s1 =	srdreg.scid  }
0x8b: {  	s0 =	sand.u32 $0x1, s1  }
0x8c: {  	s17 =	sshll.u32 s0, $0xA;
	s2 =	sadd.s32 s3, s2  }
0x8d: {  	s2 =	sadd.s32 s2, s17  }
0x8e: {  	[smem:$0x3FC2] =	sst s2  }
0x8f: {  	_ = 	snop  }
0x90: {  	s18 =	sld [smem:$0x3FC7]  }
0x91: {  	s4 =	sld [smem:$0x3FD0];
	(tm) =	ssettm $0x1  }
0x92: {  	s19 =	sld [smem:$0x3FFB];
	_ =	sdelay $0x3  }
0x93: {  	_ =	strace s19  }
0x94: {  	s2 =	sld [smem:$0x3FFC];
	_ =	sdelay $0x3  }
0x95: {  	_ =	strace s2  }
0x96: {  	s2 =	sld [smem:$0x3FFD];
	_ =	sdelay $0x3  }
0x97: {  	_ =	strace s2  }
0x98: {  	_ =	strace $0x8FFFFFFF  }
0x99: {  	s20 =	sld [smem:$0x3FDB];
	_ =	sdelay $0x1  }
0x9a: {  	s5 =	simm.s32 $_scs_section_size  }
0x9b: {  	s6 =	simm.s32 $_size__tile_overlayer_lowered;
	s7 =	simm.s32 $_tile_overlayer_lowered  }
0x9c: {  	s8 =	simm.s32 $0x1BFF;
	s21 =	sshll.u32 s7, $0x1;
	s5 =	sadd.s32 s5, s20  }
0x9d: {  	s22 =	simm.s32 $0x0;
	s6 =	sshll.u32 s6, $0x1;
	s7 =	sadd.s32 s21, s5  }
0x9e: {  	[timem:s22], [sflag:s8] =	dma.local [hbm:s7], s6  }
0x9f: {  	_ =	swait.ge [sflag:s8], s6  }
0xa0: {  	s6 =	ssub.s32 $0x0, s6;
	[sflag:s8] =	ssyncset.done $0x0  }
0xa1: {  	[sflag:s8] =	ssyncadd.s32 s6;
	_ =	sdelay $0x1  }
0xa2: {  	s23 =	simm.s32 $0x1B8B  }
0xa3: {  	_ =	swait.ge [sflag:s23], $0x1  }
0xa4: {  	[sflag:s23] =	ssyncset.done $0x0  }
0xa5: {  	[sflag:s23] =	ssyncadd.s32 $0xFFFFFFFF  }
0xa6: {  	s6 =	sld [smem:$0x0]  }
0xa7: {  	s7 =	sand.u32 $0xFFFFFFFE, s1  }
0xa8: {  	p0 =	sne.s32 s1, s7  }
0xa9: {  	s7 =	sshll.u32 @p0 s7, $0xE  }
0xaa: {  	s7 =	sadd.s32 @p0 $0x11B8D, s7;
	s8 =	sshll.u32 @p0 s6, $0x11  }
0xab: {  	s7 =	sor.u32 @p0 s8, s7  }
0xac: {  	[sflag:s7] =	ssyncadd.remote.s32 @p0 $0x1;
	_ =	sdelay $0x1  }
0xad: {  	s7 =	simm.s32 @p0 $0x1B8D  }
0xae: {  	_ =	swait.eq @p0 [sflag:s7], $0x1  }
0xaf: {  	[sflag:s7] =	ssyncadd.s32 @p0 $0xFFFFFFFF  }
0xb0: {  	s8 =	sshll.u32 @!p0 s1, $0xE  }
0xb1: {  	s8 =	sor.u32 @!p0 $0x4000, s8;
	s7 =	simm.s32 @!p0 $0x1B8D  }
0xb2: {  	s6 =	sshll.u32 @!p0 s6, $0x11;
	s8 =	sadd.s32 @!p0 $0x11B8D, s8;
	_ =	swait.eq @!p0 [sflag:s7], $0x1  }
0xb3: {  	s6 =	sor.u32 @!p0 s6, s8;
	[sflag:s7] =	ssyncadd.s32 @!p0 $0xFFFFFFFF  }
0xb4: {  	s25 =	simm.s32 $0x1B8E;
	s24 =	sld [smem:$0x3FFE];
	[sflag:s6] =	ssyncadd.remote.s32 @!p0 $0x1  }
0xb5: {  	s26 =	simm.s32 $execute0_lowered;
	[smem:$0x3FD2] =	sst s25  }
0xb6: {  	s7 =	sshll.u32 s26, $0x1;
	_ =	strace $0x80000049;
	[dreg:$0x1] =	wrdreg $0xFFFFFFFF  }
0xb7: {  	s28 =	simm.s32 $_size_execute0_lowered;
	s5 =	sadd.s32 s5, s7;
	[dreg:$0x0] =	wrdreg $0x0  }
0xb8: {  	s7 =	sshll.u32 s28, $0x1;
	[dreg:$0x2] =	wrdreg s5  }
0xb9: {  	[dreg:$0x3] =	wrdreg s7  }
0xba: {  	[dreg:$0x4] =	wrdreg $0xC0  }
0xbb: {  	_ =	task [dreg:s22], $0x5FFFF  }
0xbc: {  	[dreg:$0x1] =	wrdreg $0xFFFFFFFF  }
0xbd: {  	[dreg:$0x0] =	wrdreg $0x60  }
0xbe: {  	[dreg:$0x2] =	wrdreg s18  }
0xbf: {  	[dreg:$0x3] =	wrdreg s4  }
0xc0: {  	[dreg:$0x4] =	wrdreg s24  }
0xc1: {  	[dreg:$0x5] =	wrdreg $0x0  }
0xc2: {  	[dreg:$0x6] =	wrdreg $0x9  }
0xc3: {  	_ =	task.clear_ibuf [dreg:s22], $0x7FFFF;
	_ =	strace $0x90000049  }
0xc4: {  	s29 =	simm.s32 $0x9;
	_ =	strace $0x8000004B  }
0xc5: {  	_ =	swait.ge [sflag:s29], $0x1  }
0xc6: {  	[sflag:s29] =	ssyncadd.s32 $0xFFFFFFFF  }
0xc7: {  	_ =	strace $0x9000004B  }
0xc8: {  	_ =	sfence  }
0xc9: {  	s30 =	sld [smem:$0x0];
	_ =	sdelay $0x2  }
0xca: {  	s31 =	sshll.u32 s1, $0xD;
	s1 =	sshrl.u32 s1, $0x2  }
0xcb: {  	s4 =	sand.u32 $0x4000, s31;
	s1 =	sadd.s32 s1, s30  }
0xcc: {  	s0 =	sor.u32 s4, s0;
	s1 =	sshll.u32 s1, $0x11  }
0xcd: {  	s0 =	sor.u32 s1, s0  }
0xce: {  	s0 =	sadd.s32 $0x8F2B, s0  }
0xcf: {  	[sflag:s0] =	ssyncadd.remote.s32 $0x1  }
0xd0: {  	_ =	sfence.sel $0xFFFF  }
0xd1: {  	[dreg:$0x0] =	wrdreg $0xFFFFFFFF;
	(pc) =	sbr.abs _section_cstart, $3  }
0xd2: {  	[dreg:$0x1] =	wrdreg $0xFFFFFFFF  }
0xd3: {  	_ =	task.clear_ibuf [dreg:s22], $0x2FFFF;
	_ =	strace $0x9FFFFFFF  }
0xd4: {  	(tm) =	ssettm $0x7FFFFFFF  }
0xd5: {  	_ =	shalt  }
tec
execute0_lowered:
.L_overlay_start_1:
0x0: {  	(tag) =	ssettag $0x1  }
0x1: {  	s10 =	rddreg [dreg:$0x0]  }
0x2: {  	s1 =	rddreg [dreg:$0x1]  }
0x3: {  	s5 =	rddreg [dreg:$0x2]  }
0x4: {  	s3 =	rddreg [dreg:$0x3];
	s0 =	stileid.u32  }
0x5: {  	s4 =	srdreg.scid;
	s18 =	smul.u32 $0x2800, s0  }
0x6: {  	s17 =	simm.s32 $0x18080;
	s20 =	simm.s32 $0x0;
	s13 =	smul.u32 $0x50000, s0  }
0x7: {  	s6 =	sand.u32 $0x1, s4;
	s4 =	simm.s32 $0x0;
	s25 =	smul.u32 $0x27, s0  }
0x8: {  	s31 =	sshll.u32 s0, $0x6;
	s7 =	sshll.u32 s6, $0x4;
	s8 =	smul.u32 $0x28000, s6  }
0x9: {  	[smem:$0x7FF] =	sst s4;
	s24 =	ssub.s32 $0x2, s6;
	s6 =	smul.u32 $0x270, s6  }
0xa: {  	s7 =	sor.u32 s0, s7;
	_ =	strace $0x8000004A;
	s9 =	sadd.s32 s18, s5  }
0xb: {  	s14 =	sshrl.u32 s24, $0x1;
	s28 =	sshrl.u32 s13, $0x2;
	s13 =	simm.s32 $0x14000  }
0xc: {  	s11 =	smul.u32 $0x27, s7;
	s12 =	sadd.s32 s8, s5;
	s15 =	smin.u32 s7, $0x2  }
0xd: {  	p0 =	slt.u32 s7, $0x2;
	s5 =	simm.s32 $0x28;
	s14 =	ssub.s32 s24, s14  }
0xe: {  	s7 =	sadd.s32 s25, s6;
	s16 =	sadd.s32 s28, s3;
	s5 =	simm.s32 @!p0 $0x27  }
0xf: {  	s29 =	sadd.s32 s15, s7;
	s7 =	sadd.s32 $0x1400, s9;
	s19 =	sadd.s32 $0x79400, s12  }
0x10: {  	s26 =	sadd.s32 s15, s11;
	s11 =	sshll.u32 s29, $0x4;
	s9 =	sadd.s32 $0xFFFFFFFF, s5  }
0x11: {  	s15 =	sshrl.u32 s16, $0x3;
	s16 =	simm.s32 $0x18000;
	s18 =	sadd.s32 s18, s19  }
0x12: {  	s19 =	simm.s32 $0x3;
	s8 =	sshll.u32 s26, $0x4;
	s30 =	sadd.s32 s11, s10  }
0x13: {  	s6 =	sadd.s32 s10, s8;
	s10 =	smax.u32 s14, $0x1;
	s11 =	sadd.s32 $0x30, s30  }
0x14: {  	s12 =	sadd.s32 $0x20, s30;
	s14 =	sor.u32 $0x1C03, s31;
	s8 =	sadd.s32 $0x10, s6  }
.LBB2_1:
0x15: {  	[tilespmem:s13], [sflag:$0x3] =	stream.linear.gather [hbm4b:s1+s4], $0x4000, $0x38;
	[tilespmem:$0x18100] =	vst v63  }
0x16: {  	_ =	swait.ge [sflag:s19], $0x4000  }
0x17: {  	[sflag:s19] =	ssyncset.done $0x0  }
0x18: {  	[sflag:s19] =	ssyncadd.s32 $0xFFFFC000  }
0x19: {  	[spmem:s15], [sflag:s14] =	dma.local [hbm:s7], $0x2800  }
0x1a: {  	_ =	swait.ge [sflag:s19], $0x2800  }
0x1b: {  	[sflag:s19] =	ssyncset.done $0x0  }
0x1c: {  	[sflag:s19] =	ssyncadd.s32 $0xFFFFD800  }
0x1d: {  	p1 =	sle.u32 s5, $0x0;
	[bflag:$0x0] =	sbarrier.arrive $0xFFFF  }
0x1e: {  	[tilespmem:s16], [sflag:$0x1] =	stream.linear.gather [hbm4b:s6+s4], $0x80, $0x38;
	[tilespmem:$0x18100] =	vst v63  }
0x1f: {  	s21 =	simm.s32 @!p1 $0x1;
	p0 =	sle.u32 @!p1 s5, $0x2  }
0x20: {  	[tilespmem:s17], [sflag:$0x2] =	stream.linear.gather [hbm4b:s8+s4], $0x80, $0x38;
	[tilespmem:$0x18100] =	vst v63  }
0x21: {  	s22 =	simm.s32 @!p1 $0x14000;
	s23 =	simm.s32 @!p1 $0x3;
	_ =	swait.ge @!p1 [sflag:s21], $0x80  }
0x22: {  	s24 =	simm.s32 @!p1 $0x18000;
	p2 =	por p0, p1;
	[sflag:s21] =	ssyncset.done @!p1 $0x0  }
0x23: {  	p0 =	sle.u32 s9, $0x0;
	[sflag:s21] =	ssyncadd.s32 @!p1 $0xFFFFFF80;
	s21 =	simm.s32 @!p1 $0x80  }
0x24: {  	[spmem:s3] =	stream.indirect.scatter.add.f32 @!p1 [tilespmem:s22], [sflag:$0x3], $0x80, s24, s21, $0xb8;
	[tilespmem:$0x18100] =	vst v63  }
0x25: {  	s25 =	simm.s32 @!p0 $0x2;
	_ =	swait.ge @!p1 [sflag:s23], $0x4000  }
0x26: {  	s26 =	simm.s32 @!p0 $0x3;
	s21 =	simm.s32 $0x5;
	[sflag:s23] =	ssyncset.done @!p1 $0x0  }
0x27: {  	s22 =	simm.s32 @!p2 $0x18000;
	[sflag:s23] =	ssyncadd.s32 @!p1 $0xFFFFC000;
	s23 =	simm.s32 @!p2 $0x0  }
0x28: {  	[tilespmem:s22], [sflag:$0x1] =	stream.linear.gather @!p2 [hbm4b:s12+s23], $0x80, $0x38;
	[tilespmem:$0x18100] =	vst v63  }
0x29: {  	s24 =	simm.s32 $0x2;
	p1 =	sle.u32 @!p0 s5, $0x3;
	_ =	swait.ge @!p0 [sflag:s25], $0x80  }
0x2a: {  	s22 =	simm.s32 @!p0 $0x18080;
	s23 =	simm.s32 @!p0 $0x14000;
	[sflag:s25] =	ssyncset.done @!p0 $0x0  }
0x2b: {  	p2 =	por p1, p0;
	[sflag:s25] =	ssyncadd.s32 @!p0 $0xFFFFFF80;
	s25 =	simm.s32 @!p0 $0x80  }
0x2c: {  	[spmem:s3] =	stream.indirect.scatter.add.f32 @!p0 [tilespmem:s23], [sflag:$0x3], $0x80, s22, s25, $0xb8;
	[tilespmem:$0x18100] =	vst v63  }
0x2d: {  	s28 =	simm.s32 @!p2 $0x0;
	s29 =	simm.s32 @!p2 $0x18080;
	_ =	swait.ge @!p0 [sflag:s26], $0x4000  }
0x2e: {  	s25 =	simm.s32 $0x7;
	s22 =	sadd.s32 $0x20, s11;
	[sflag:s26] =	ssyncset.done @!p0 $0x0  }
0x2f: {  	s23 =	sadd.s32 $0x20, s12;
	[sflag:s26] =	ssyncadd.s32 @!p0 $0xFFFFC000;
	s26 =	smov.u32 s11  }
.LBB2_2:
0x30: {  	[tilespmem:s29], [sflag:$0x2] =	stream.linear.gather @!p2 [hbm4b:s26+s28], $0x80, $0x38;
	[tilespmem:$0x18100] =	vst v63  }
0x31: {  	s28 =	smov.u32 s21;
	s21 =	smov.u32 s25;
	s26 =	smov.u32 s22  }
0x32: {  	s25 =	sadd.s32 $0x2, s25;
	p2 =	sge.u32 s24, s5;
	s29 =	sadd.s32 $0xFFFFFFFD, s21  }
0x33: {  	p0 =	sne.s32 s25, $0x2B;
	s30 =	simm.s32 @!p2 $0x1;
	s31 =	sadd.s32 @!p2 $0xFFFFFFFF, s28  }
0x34: {  	p1 =	sge.u32 @!p2 s31, s5;
	_ =	swait.ge @!p2 [sflag:s30], $0x80  }
0x35: {  	s0 =	simm.s32 @!p2 $0x3;
	s31 =	simm.s32 @!p2 $0x14000;
	[sflag:s30] =	ssyncset.done @!p2 $0x0  }
0x36: {  	s2 =	simm.s32 @!p2 $0x18000;
	[sflag:s30] =	ssyncadd.s32 @!p2 $0xFFFFFF80;
	s30 =	simm.s32 @!p2 $0x80  }
0x37: {  	[spmem:s3] =	stream.indirect.scatter.add.f32 @!p2 [tilespmem:s31], [sflag:$0x3], $0x80, s2, s30, $0xb8;
	[tilespmem:$0x18100] =	vst v63  }
0x38: {  	p3 =	por p1, p2;
	_ =	swait.ge @!p2 [sflag:s0], $0x4000  }
0x39: {  	p1 =	sge.u32 s24, s9;
	s2 =	simm.s32 @!p3 $0x18000;
	[sflag:s0] =	ssyncset.done @!p2 $0x0  }
0x3a: {  	s24 =	simm.s32 @!p1 $0x2;
	[sflag:s0] =	ssyncadd.s32 @!p2 $0xFFFFC000;
	s0 =	simm.s32 @!p3 $0x0  }
0x3b: {  	[tilespmem:s2], [sflag:$0x1] =	stream.linear.gather @!p3 [hbm4b:s23+s0], $0x80, $0x38;
	[tilespmem:$0x18100] =	vst v63  }
0x3c: {  	p2 =	sge.u32 @!p1 s28, s5;
	s0 =	simm.s32 @!p1 $0x3;
	_ =	swait.ge @!p1 [sflag:s24], $0x80  }
0x3d: {  	s28 =	simm.s32 @!p1 $0x14000;
	s2 =	simm.s32 @!p1 $0x18080;
	[sflag:s24] =	ssyncset.done @!p1 $0x0  }
.Ltmp0:
0x3e: {  	[sflag:s24] =	ssyncadd.s32 @!p1 $0xFFFFFF80;
	s24 =	simm.s32 @!p1 $0x80;
	(pc) =	sbr.rel @p0 .LBB2_2-.Ltmp0, $4  }
0x3f: {  	[spmem:s3] =	stream.indirect.scatter.add.f32 @!p1 [tilespmem:s28], [sflag:$0x3], $0x80, s2, s24, $0xb8;
	[tilespmem:$0x18100] =	vst v63  }
0x40: {  	p2 =	por p2, p1;
	s24 =	smov.u32 s29;
	_ =	swait.ge @!p1 [sflag:s0], $0x4000  }
0x41: {  	s22 =	sadd.s32 $0x20, s22;
	s23 =	sadd.s32 $0x20, s23;
	[sflag:s0] =	ssyncset.done @!p1 $0x0  }
0x42: {  	s28 =	simm.s32 @!p2 $0x0;
	s29 =	simm.s32 @!p2 $0x18080;
	[sflag:s0] =	ssyncadd.s32 @!p1 $0xFFFFC000  }
0x43: {  	[tilespmem:s29], [sflag:$0x2] =	stream.linear.gather @!p2 [hbm4b:s26+s28], $0x80, $0x38;
	[tilespmem:$0x18100] =	vst v63  }
0x44: {  	p0 =	sge.u32 s24, s5  }
0x45: {  	s0 =	simm.s32 @!p0 $0x1  }
0x46: {  	s2 =	sadd.s32 @!p0 $0xFFFFFFFF, s21;
	s25 =	simm.s32 @!p0 $0x3;
	_ =	swait.ge @!p0 [sflag:s0], $0x80  }
0x47: {  	s26 =	simm.s32 @!p0 $0x18000;
	p1 =	sge.u32 @!p0 s2, s5;
	[sflag:s0] =	ssyncset.done @!p0 $0x0  }
0x48: {  	s2 =	simm.s32 @!p0 $0x14000;
	[sflag:s0] =	ssyncadd.s32 @!p0 $0xFFFFFF80;
	s0 =	simm.s32 @!p0 $0x80  }
0x49: {  	[spmem:s3] =	stream.indirect.scatter.add.f32 @!p0 [tilespmem:s2], [sflag:$0x3], $0x80, s26, s0, $0xb8;
	[tilespmem:$0x18100] =	vst v63  }
0x4a: {  	p2 =	por p1, p0;
	p1 =	sge.u32 s24, s9;
	_ =	swait.ge @!p0 [sflag:s25], $0x4000  }
0x4b: {  	s24 =	simm.s32 @!p1 $0x2;
	[sflag:s25] =	ssyncset.done @!p0 $0x0  }
0x4c: {  	s0 =	simm.s32 @!p2 $0x18000;
	s2 =	simm.s32 @!p2 $0x0;
	[sflag:s25] =	ssyncadd.s32 @!p0 $0xFFFFC000  }
0x4d: {  	[tilespmem:s0], [sflag:$0x1] =	stream.linear.gather @!p2 [hbm4b:s23+s2], $0x80, $0x38;
	[tilespmem:$0x18100] =	vst v63  }
0x4e: {  	_ =	swait.ge @!p1 [sflag:s24], $0x80  }
0x4f: {  	s0 =	simm.s32 @!p1 $0x3;
	s2 =	simm.s32 @!p1 $0x18080;
	[sflag:s24] =	ssyncset.done @!p1 $0x0  }
0x50: {  	s23 =	simm.s32 @!p1 $0x14000;
	[sflag:s24] =	ssyncadd.s32 @!p1 $0xFFFFFF80;
	s24 =	simm.s32 @!p1 $0x80  }
0x51: {  	[spmem:s3] =	stream.indirect.scatter.add.f32 @!p1 [tilespmem:s23], [sflag:$0x3], $0x80, s2, s24, $0xb8;
	[tilespmem:$0x18100] =	vst v63  }
0x52: {  	p0 =	sge.u32 @!p1 s21, s5;
	_ =	swait.ge @!p1 [sflag:s0], $0x4000  }
0x53: {  	s20 =	sadd.s32 $0x1, s20;
	p0 =	por p0, p1;
	[sflag:s0] =	ssyncset.done @!p1 $0x0  }
0x54: {  	s2 =	simm.s32 @!p0 $0x18080;
	[sflag:s0] =	ssyncadd.s32 @!p1 $0xFFFFC000;
	s0 =	simm.s32 @!p0 $0x0  }
0x55: {  	[tilespmem:s2], [sflag:$0x2] =	stream.linear.gather @!p0 [hbm4b:s22+s0], $0x80, $0x38;
	[tilespmem:$0x18100] =	vst v63  }
0x56: {  	p0 =	sne.s32 s20, s10  }
.Ltmp1:
0x57: {  	[bflag:$0x0] =	sbarrier.arrive $0xFFFF;
	(pc) =	sbr.rel @p0 .LBB2_1-.Ltmp1, $4  }
0x58: {  	[hbm:s18], [sflag:s14] =	dma.local [spmem:s15], $0x2800  }
0x59: {  	_ =	swait.ge [sflag:s19], $0x2800  }
0x5a: {  	[sflag:s19] =	ssyncset.done $0x0  }
0x5b: {  	[sflag:s19] =	ssyncadd.s32 $0xFFFFD800  }
0x5c: {  	_ =	sfence.sel $0x180000  }
0x5d: {  	[bflag:$0x0] =	sbarrier.arrive $0xFFFF  }
0x5e: {  	_ =	strace $0x9000004A  }
0x5f: {  	s0 =	stileid.u32;
	[bflag:$0x2] =	sbarrier.arrive $0xFFFF  }
0x60: {  	p0 =	sne.s32 s0, $0x0;
	s0 =	rddreg [dreg:$0x4]  }
0x61: {  	s0 =	sadd.s32 @!p0 $0x100000, s0  }
0x62: {  	[sflag:s0] =	ssyncadd.tile.s32 @!p0 $0x1;
	_ =	shalt  }
.Lfunc_end2:
_tile_overlayer_lowered:
.L_overlay_start_2:
0x63: {  	(tag) =	ssettag $0x2  }
0x64: {  	s0 =	rddreg [dreg:$0x0];
	s2 =	stileid.u32  }
0x65: {  	s1 =	rddreg [dreg:$0x1];
	p0 =	sne.s32 s2, $0x0  }
0x66: {  	s3 =	rddreg [dreg:$0x2];
	[bflag:$0x3] =	sbarrier.arrive $0xFFFF;
	s2 =	simm.s32 @!p0 $0x1C03  }
0x67: {  	[timem:s3], [sflag:s2] =	dma.local @!p0 [hbm:s0], s1  }
0x68: {  	s0 =	simm.s32 @!p0 $0x3  }
0x69: {  	_ =	swait.ge @!p0 [sflag:s0], s1  }
0x6a: {  	s1 =	ssub.s32 @!p0 $0x0, s1;
	[sflag:s0] =	ssyncset.done @!p0 $0x0  }
0x6b: {  	[sflag:s0] =	ssyncadd.s32 @!p0 s1  }
0x6c: {  	[bflag:$0x3] =	sbarrier.arrive $0xFFFF  }
0x6d: {  	_ =	shalt  }

</sc_bundles>
